<compile_context>
chip_gen: v7x
topology: tpu7x:2x2x1
jax: 0.10.2.dev20260603
libtpu: 0.0.44.dev20260713+nightly
codegen_flags: <defaults>
</compile_context>

<pallas_src>
import functools

import jax
import jax.numpy as jnp
from jax import lax
from jax.experimental import pallas as pl
from jax.experimental.pallas import tpu as pltpu
from jax.experimental.pallas import tpu_sc as plsc

B = 16
L = 1024
D = 4096
T = B * L
NC, NS = 2, 16
NW = NC * NS
RPW = T // NW
WPB = L // RPW
CH = 8
NBUF = 3
NCHUNK = RPW // CH


def _sc_body(hd_hbm, mask_hbm, out_hbm, mask_v, idx_v, bufs,
             sem_in, sem_out):
    cid = lax.axis_index("c")
    sid = lax.axis_index("s")
    wid = sid * NC + cid
    i = wid // WPB
    j0 = (wid % WPB) * RPW

    pltpu.sync_copy(mask_hbm, mask_v)
    k_lo = i * (L // 16)
    k_hi = k_lo + L // 16

    def sum_range(lo, hi):
        def body(k, acc):
            return acc + mask_v[pl.ds(k * 16, 16)]
        acc = lax.fori_loop(lo, hi, body, jnp.zeros((16,), jnp.int32))
        s = acc[0]
        for lane in range(1, 16):
            s = s + acc[lane]
        return s

    pre = sum_range(0, k_lo)
    slen = sum_range(k_lo, k_hi)

    vcnt = jnp.clip(slen - j0, 0, RPW)
    src0 = pre + j0
    dst0 = wid * RPW

    iota = lax.iota(jnp.int32, 16)

    @pl.loop(0, RPW // 16)
    def _(q):
        r = q * 16 + iota
        idx_v[pl.ds(q * 16, 16)] = jnp.where(r < vcnt, src0 + r, T - 1)

    def out_copy(c):
        b = lax.rem(c, NBUF)
        return pltpu.make_async_copy(
            bufs.at[b], out_hbm.at[pl.ds(dst0 + c * CH, CH)], sem_out)

    def run_ring(in_copy):
        in_copy(0).start()

        @pl.loop(0, NCHUNK)
        def _(c):
            @pl.when(c + 1 < NCHUNK)
            def _():
                @pl.when(c + 1 >= NBUF)
                def _():
                    out_copy(c + 1 - NBUF).wait()
                in_copy(c + 1).start()
            in_copy(c).wait()
            out_copy(c).start()

        @pl.loop(NCHUNK - NBUF, NCHUNK)
        def _(q):
            out_copy(q).wait()

    def in_gather(c):
        b = lax.rem(c, NBUF)
        return pltpu.make_async_copy(
            hd_hbm.at[idx_v.at[pl.ds(c * CH, CH)]], bufs.at[b], sem_in)

    run_ring(in_gather)

    @pl.loop(vcnt // CH, NCHUNK)
    def _(c):
        nv = jnp.clip(vcnt - c * CH, 0, CH)
        refill = pltpu.make_async_copy(
            hd_hbm.at[idx_v.at[pl.ds(c * CH, CH)]], bufs.at[0], sem_in)
        refill.start()
        refill.wait()
        for r in range(CH):
            @pl.when(r >= nv)
            def _():
                @pl.loop(0, D // 16)
                def _(q):
                    bufs[0, r, pl.ds(q * 16, 16)] = jnp.zeros((16,), jnp.float32)
        emit = pltpu.make_async_copy(
            bufs.at[0], out_hbm.at[pl.ds(dst0 + c * CH, CH)], sem_out)
        emit.start()
        emit.wait()


@functools.partial(
    pl.kernel,
    out_type=jax.ShapeDtypeStruct((T, D), jnp.float32),
    mesh=plsc.VectorSubcoreMesh(
        core_axis_name="c", subcore_axis_name="s",
        num_cores=NC, num_subcores=NS),
    scratch_types=[
        pltpu.VMEM((T,), jnp.int32),
        pltpu.VMEM((RPW,), jnp.int32),
        pltpu.VMEM((NBUF, CH, D), jnp.float32),
        pltpu.SemaphoreType.DMA,
        pltpu.SemaphoreType.DMA,
    ],
)
def _sc_unpack(hd_hbm, mask_hbm, out_hbm, mask_v, idx_v, bufs,
               sem_in, sem_out):
    _sc_body(hd_hbm, mask_hbm, out_hbm, mask_v, idx_v, bufs,
             sem_in, sem_out)


def kernel(hd, mask):
    hd_flat = hd.reshape(T, D)
    mask32 = mask.astype(jnp.int32).reshape(-1)
    out = _sc_unpack(hd_flat, mask32)
    return out.reshape(B, L, D)

# --- scband reference (transcript-rebuilt; emitter-appended) ---
"""Pipeline reference for scband-paged-attention-net-72670846648819 (READ-ONLY COPY).

The authoritative reference and input builder live on the scoring server;
editing this copy changes nothing except your own understanding.
"""

import jax, jax.numpy as jnp
import numpy as np


def setup_inputs(seed: int = 0) -> dict:
    key = jax.random.key(seed)
    k1, _ = jax.random.split(key)
    hd = jax.random.normal(k1, (1, 16384, 4096), dtype=jnp.float32)
    # binary mask; all ones so each of the 16 sequences has length 1024 (sums to 16384 tokens)
    mask = jnp.ones((16, 1024), dtype=jnp.int64)
    return {"hd": hd, "mask": mask}


def reference(hd, mask):
    # Faithful translation of OnnxAddpadding.forward:
    # output = zeros(mask.shape + (hd.shape[-1],))
    # seq_len = mask.sum(-1); for each batch row i, copy the next seq_len[i]
    # flattened tokens from hd[0] into output[i, :seq_len[i]].
    B, L = mask.shape
    seq_len = mask.sum(-1)  # [B]
    # prefix offsets into the flat token dimension (pre_len in the torch loop)
    pre = jnp.concatenate([jnp.zeros((1,), dtype=seq_len.dtype), jnp.cumsum(seq_len)[:-1]])  # [B]
    j = jnp.arange(L, dtype=seq_len.dtype)  # [L]
    flat_idx = pre[:, None] + j[None, :]  # [B, L] index into hd[0]
    valid = j[None, :] < seq_len[:, None]  # [B, L]
    flat_idx_safe = jnp.where(valid, flat_idx, 0)
    gathered = jnp.take(hd[0], flat_idx_safe, axis=0)  # [B, L, d]
    output = jnp.where(valid[..., None], gathered, jnp.zeros((), dtype=hd.dtype))
    return output.astype(hd.dtype)

if __name__ == "__main__":
    import jax
    _d = setup_inputs()
    print(jax.jit(kernel)(*tuple(_d.values())))

</pallas_src>

<mosaic_0001>
#map = affine_map<(d0, d1) -> (0, 0)>
#map1 = affine_map<(d0, d1) -> (0)>
module attributes {stable_mosaic.version = 14 : i64} {
  func.func @_sc_unpack(%arg0: i32, %arg1: i32, %arg2: memref<16384x4096xf32, #tpu.memory_space<hbm>>, %arg3: memref<16384xi32, #tpu.memory_space<hbm>>, %arg4: memref<16384x4096xf32, #tpu.memory_space<hbm>>, %arg5: memref<16384xi32, #tpu.memory_space<vmem>>, %arg6: memref<512xi32, #tpu.memory_space<vmem>>, %arg7: memref<3x8x4096xf32, #tpu.memory_space<vmem>>, %arg8: memref<!tpu.dma_semaphore, #tpu.memory_space<semaphore_mem>>, %arg9: memref<!tpu.dma_semaphore, #tpu.memory_space<semaphore_mem>>) attributes {dimension_semantics = [#tpu.dimension_semantics<core_parallel>, #tpu.dimension_semantics<subcore_parallel>], iteration_bounds = array<i64: 2, 16>, scalar_prefetch = 0 : i64, scratch_operands = 5 : i64, tpu.core_type = #tpu.core_type<sc_vector_subcore>, window_params = [{transform_indices = #map}, {transform_indices = #map1}, {transform_indices = #map}]} {
    %mul3A = arith.constant 2 : i32
    %mul3A_0 = arith.muli %arg1, %mul3A : i32
    %add3A = arith.addi %mul3A_0, %arg0 : i32
    %jit3A = arith.constant 2 : i32
    %div3A = arith.divsi %add3A, %jit3A : i32
    %sign3A = arith.constant 0 : i32
    %sign3A_1 = arith.cmpi sgt, %add3A, %sign3A : i32
    %sign3A_2 = arith.extui %sign3A_1 : i1 to i32
    %sign3A_3 = arith.constant 0 : i32
    %sign3A_4 = arith.cmpi slt, %add3A, %sign3A_3 : i32
    %sign3A_5 = arith.extui %sign3A_4 : i1 to i32
    %sign3A_6 = arith.subi %sign3A_2, %sign3A_5 : i32
    %sign3A_7 = arith.constant 0 : i32
    %sign3A_8 = arith.cmpi sgt, %jit3A, %sign3A_7 : i32
    %sign3A_9 = arith.extui %sign3A_8 : i1 to i32
    %sign3A_10 = arith.constant 0 : i32
    %sign3A_11 = arith.cmpi slt, %jit3A, %sign3A_10 : i32
    %sign3A_12 = arith.extui %sign3A_11 : i1 to i32
    %sign3A_13 = arith.subi %sign3A_9, %sign3A_12 : i32
    %ne3A = arith.cmpi ne, %sign3A_6, %sign3A_13 : i32
    %rem3A = arith.remsi %add3A, %jit3A : i32
    %ne3A_14 = arith.constant 0 : i32
    %ne3A_15 = arith.cmpi ne, %rem3A, %ne3A_14 : i32
    %and3A = arith.andi %ne3A, %ne3A_15 : i1
    %sub3A = arith.constant 1 : i32
    %sub3A_16 = arith.subi %div3A, %sub3A : i32
    %select_n3A = arith.select %and3A, %sub3A_16, %div3A : i32
    %jit3A_17 = arith.constant 2 : i32
    %eq3A = arith.constant 0 : i32
    %eq3A_18 = arith.cmpi eq, %jit3A_17, %eq3A : i32
    %jit3A_19 = arith.constant 1 : i32
    %select_n3A_20 = arith.select %eq3A_18, %jit3A_19, %jit3A_17 : i32
    %rem3A_21 = arith.remsi %add3A, %select_n3A_20 : i32
    %ne3A_22 = arith.constant 0 : i32
    %ne3A_23 = arith.cmpi ne, %rem3A_21, %ne3A_22 : i32
    %lt3A = arith.constant 0 : i32
    %lt3A_24 = arith.cmpi slt, %rem3A_21, %lt3A : i32
    %lt3A_25 = arith.constant 0 : i32
    %lt3A_26 = arith.cmpi slt, %select_n3A_20, %lt3A_25 : i32
    %ne3A_27 = arith.xori %lt3A_24, %lt3A_26 : i1
    %and3A_28 = arith.andi %ne3A_27, %ne3A_23 : i1
    %add3A_29 = arith.addi %rem3A_21, %select_n3A_20 : i32
    %select_n3A_30 = arith.select %and3A_28, %add3A_29, %rem3A_21 : i32
    %mul3A_31 = arith.constant 512 : i32
    %mul3A_32 = arith.muli %select_n3A_30, %mul3A_31 : i32
    "tpu.region"() ({
      %run_scoped3A = tpu.sem_alloc : memref<!tpu.dma_semaphore, #tpu.memory_space<semaphore_mem>>
      tpu.enqueue_dma source(%arg3 : memref<16384xi32, #tpu.memory_space<hbm>>) target(%arg5 : memref<16384xi32, #tpu.memory_space<vmem>>) target_semaphore(%run_scoped3A : memref<!tpu.dma_semaphore, #tpu.memory_space<semaphore_mem>>)
      tpu.wait_dma2 semaphore(%run_scoped3A : memref<!tpu.dma_semaphore, #tpu.memory_space<semaphore_mem>>) src(%arg3 : memref<16384xi32, #tpu.memory_space<hbm>>) dst(%arg5 : memref<16384xi32, #tpu.memory_space<vmem>>)
      tpu.yield
    }) : () -> ()
    %mul3A_33 = arith.constant 64 : i32
    %mul3A_34 = arith.muli %select_n3A, %mul3A_33 : i32
    %add3A_35 = arith.constant 64 : i32
    %add3A_36 = arith.addi %mul3A_34, %add3A_35 : i32
    %broadcast_in_dim3A = arith.constant 0 : i32
    %broadcast_in_dim3A_37 = vector.broadcast %broadcast_in_dim3A : i32 to vector<16xi32>
    %while3A = arith.constant 0 : i32
    %while3A_38 = arith.subi %mul3A_34, %while3A : i32
    %while3A_39 = arith.addi %while3A, %while3A_38 : i32
    %while3A_40 = arith.constant 1 : i32
    %while3A_41 = arith.divsi %while3A_38, %while3A_40 : i32
    %while3A_42 = arith.muli %while3A_41, %while3A_40 : i32
    %while3A_43 = arith.addi %while3A, %while3A_42 : i32
    %while3A_44 = arith.constant 1 : i32
    %while3A_45 = scf.for %while3A_225 = %while3A to %while3A_43 step %while3A_44 iter_args(%while3A_226 = %broadcast_in_dim3A_37) -> (vector<16xi32>)  : i32 {
      %mul3A_227 = arith.constant 16 : i32
      %mul3A_228 = arith.muli %while3A_225, %mul3A_227 : i32
      %get3A = arith.index_cast %mul3A_228 : i32 to index
      %get3A_229 = tpu.vector_load %arg5[%get3A] {strides = array<i32>} : memref<16384xi32, #tpu.memory_space<vmem>>, vector<16xi32>,
      %get3A_230 = vector.shape_cast %get3A_229 : vector<16xi32> to vector<16xi32>
      %add3A_231 = arith.addi %while3A_226, %get3A_230 : vector<16xi32>
      scf.yield %add3A_231 : vector<16xi32>
    }
    %while3A_46 = arith.constant 1 : i32
    %while3A_47 = scf.for %while3A_225 = %while3A_43 to %while3A_39 step %while3A_46 iter_args(%while3A_226 = %while3A_45) -> (vector<16xi32>)  : i32 {
      %mul3A_227 = arith.constant 16 : i32
      %mul3A_228 = arith.muli %while3A_225, %mul3A_227 : i32
      %get3A = arith.index_cast %mul3A_228 : i32 to index
      %get3A_229 = tpu.vector_load %arg5[%get3A] {strides = array<i32>} : memref<16384xi32, #tpu.memory_space<vmem>>, vector<16xi32>,
      %get3A_230 = vector.shape_cast %get3A_229 : vector<16xi32> to vector<16xi32>
      %add3A_231 = arith.addi %while3A_226, %get3A_230 : vector<16xi32>
      scf.yield %add3A_231 : vector<16xi32>
    }
    %slice3A = vector.extract_strided_slice %while3A_47 {offsets = [0], sizes = [1], strides = [1]} : vector<16xi32> to vector<1xi32>
    %squeeze3A = vector.extract %slice3A[0] : i32 from vector<1xi32>
    %slice3A_48 = vector.extract_strided_slice %while3A_47 {offsets = [1], sizes = [1], strides = [1]} : vector<16xi32> to vector<1xi32>
    %squeeze3A_49 = vector.extract %slice3A_48[0] : i32 from vector<1xi32>
    %add3A_50 = arith.addi %squeeze3A, %squeeze3A_49 : i32
    %slice3A_51 = vector.extract_strided_slice %while3A_47 {offsets = [2], sizes = [1], strides = [1]} : vector<16xi32> to vector<1xi32>
    %squeeze3A_52 = vector.extract %slice3A_51[0] : i32 from vector<1xi32>
    %add3A_53 = arith.addi %add3A_50, %squeeze3A_52 : i32
    %slice3A_54 = vector.extract_strided_slice %while3A_47 {offsets = [3], sizes = [1], strides = [1]} : vector<16xi32> to vector<1xi32>
    %squeeze3A_55 = vector.extract %slice3A_54[0] : i32 from vector<1xi32>
    %add3A_56 = arith.addi %add3A_53, %squeeze3A_55 : i32
    %slice3A_57 = vector.extract_strided_slice %while3A_47 {offsets = [4], sizes = [1], strides = [1]} : vector<16xi32> to vector<1xi32>
    %squeeze3A_58 = vector.extract %slice3A_57[0] : i32 from vector<1xi32>
    %add3A_59 = arith.addi %add3A_56, %squeeze3A_58 : i32
    %slice3A_60 = vector.extract_strided_slice %while3A_47 {offsets = [5], sizes = [1], strides = [1]} : vector<16xi32> to vector<1xi32>
    %squeeze3A_61 = vector.extract %slice3A_60[0] : i32 from vector<1xi32>
    %add3A_62 = arith.addi %add3A_59, %squeeze3A_61 : i32
    %slice3A_63 = vector.extract_strided_slice %while3A_47 {offsets = [6], sizes = [1], strides = [1]} : vector<16xi32> to vector<1xi32>
    %squeeze3A_64 = vector.extract %slice3A_63[0] : i32 from vector<1xi32>
    %add3A_65 = arith.addi %add3A_62, %squeeze3A_64 : i32
    %slice3A_66 = vector.extract_strided_slice %while3A_47 {offsets = [7], sizes = [1], strides = [1]} : vector<16xi32> to vector<1xi32>
    %squeeze3A_67 = vector.extract %slice3A_66[0] : i32 from vector<1xi32>
    %add3A_68 = arith.addi %add3A_65, %squeeze3A_67 : i32
    %slice3A_69 = vector.extract_strided_slice %while3A_47 {offsets = [8], sizes = [1], strides = [1]} : vector<16xi32> to vector<1xi32>
    %squeeze3A_70 = vector.extract %slice3A_69[0] : i32 from vector<1xi32>
    %add3A_71 = arith.addi %add3A_68, %squeeze3A_70 : i32
    %slice3A_72 = vector.extract_strided_slice %while3A_47 {offsets = [9], sizes = [1], strides = [1]} : vector<16xi32> to vector<1xi32>
    %squeeze3A_73 = vector.extract %slice3A_72[0] : i32 from vector<1xi32>
    %add3A_74 = arith.addi %add3A_71, %squeeze3A_73 : i32
    %slice3A_75 = vector.extract_strided_slice %while3A_47 {offsets = [10], sizes = [1], strides = [1]} : vector<16xi32> to vector<1xi32>
    %squeeze3A_76 = vector.extract %slice3A_75[0] : i32 from vector<1xi32>
    %add3A_77 = arith.addi %add3A_74, %squeeze3A_76 : i32
    %slice3A_78 = vector.extract_strided_slice %while3A_47 {offsets = [11], sizes = [1], strides = [1]} : vector<16xi32> to vector<1xi32>
    %squeeze3A_79 = vector.extract %slice3A_78[0] : i32 from vector<1xi32>
    %add3A_80 = arith.addi %add3A_77, %squeeze3A_79 : i32
    %slice3A_81 = vector.extract_strided_slice %while3A_47 {offsets = [12], sizes = [1], strides = [1]} : vector<16xi32> to vector<1xi32>
    %squeeze3A_82 = vector.extract %slice3A_81[0] : i32 from vector<1xi32>
    %add3A_83 = arith.addi %add3A_80, %squeeze3A_82 : i32
    %slice3A_84 = vector.extract_strided_slice %while3A_47 {offsets = [13], sizes = [1], strides = [1]} : vector<16xi32> to vector<1xi32>
    %squeeze3A_85 = vector.extract %slice3A_84[0] : i32 from vector<1xi32>
    %add3A_86 = arith.addi %add3A_83, %squeeze3A_85 : i32
    %slice3A_87 = vector.extract_strided_slice %while3A_47 {offsets = [14], sizes = [1], strides = [1]} : vector<16xi32> to vector<1xi32>
    %squeeze3A_88 = vector.extract %slice3A_87[0] : i32 from vector<1xi32>
    %add3A_89 = arith.addi %add3A_86, %squeeze3A_88 : i32
    %slice3A_90 = vector.extract_strided_slice %while3A_47 {offsets = [15], sizes = [1], strides = [1]} : vector<16xi32> to vector<1xi32>
    %squeeze3A_91 = vector.extract %slice3A_90[0] : i32 from vector<1xi32>
    %add3A_92 = arith.addi %add3A_89, %squeeze3A_91 : i32
    %broadcast_in_dim3A_93 = arith.constant 0 : i32
    %broadcast_in_dim3A_94 = vector.broadcast %broadcast_in_dim3A_93 : i32 to vector<16xi32>
    %while3A_95 = arith.subi %add3A_36, %mul3A_34 : i32
    %while3A_96 = arith.addi %mul3A_34, %while3A_95 : i32
    %while3A_97 = arith.constant 1 : i32
    %while3A_98 = arith.divsi %while3A_95, %while3A_97 : i32
    %while3A_99 = arith.muli %while3A_98, %while3A_97 : i32
    %while3A_100 = arith.addi %mul3A_34, %while3A_99 : i32
    %while3A_101 = arith.constant 1 : i32
    %while3A_102 = scf.for %while3A_225 = %mul3A_34 to %while3A_100 step %while3A_101 iter_args(%while3A_226 = %broadcast_in_dim3A_94) -> (vector<16xi32>)  : i32 {
      %mul3A_227 = arith.constant 16 : i32
      %mul3A_228 = arith.muli %while3A_225, %mul3A_227 : i32
      %get3A = arith.index_cast %mul3A_228 : i32 to index
      %get3A_229 = tpu.vector_load %arg5[%get3A] {strides = array<i32>} : memref<16384xi32, #tpu.memory_space<vmem>>, vector<16xi32>,
      %get3A_230 = vector.shape_cast %get3A_229 : vector<16xi32> to vector<16xi32>
      %add3A_231 = arith.addi %while3A_226, %get3A_230 : vector<16xi32>
      scf.yield %add3A_231 : vector<16xi32>
    }
    %while3A_103 = arith.constant 1 : i32
    %while3A_104 = scf.for %while3A_225 = %while3A_100 to %while3A_96 step %while3A_103 iter_args(%while3A_226 = %while3A_102) -> (vector<16xi32>)  : i32 {
      %mul3A_227 = arith.constant 16 : i32
      %mul3A_228 = arith.muli %while3A_225, %mul3A_227 : i32
      %get3A = arith.index_cast %mul3A_228 : i32 to index
      %get3A_229 = tpu.vector_load %arg5[%get3A] {strides = array<i32>} : memref<16384xi32, #tpu.memory_space<vmem>>, vector<16xi32>,
      %get3A_230 = vector.shape_cast %get3A_229 : vector<16xi32> to vector<16xi32>
      %add3A_231 = arith.addi %while3A_226, %get3A_230 : vector<16xi32>
      scf.yield %add3A_231 : vector<16xi32>
    }
    %slice3A_105 = vector.extract_strided_slice %while3A_104 {offsets = [0], sizes = [1], strides = [1]} : vector<16xi32> to vector<1xi32>
    %squeeze3A_106 = vector.extract %slice3A_105[0] : i32 from vector<1xi32>
    %slice3A_107 = vector.extract_strided_slice %while3A_104 {offsets = [1], sizes = [1], strides = [1]} : vector<16xi32> to vector<1xi32>
    %squeeze3A_108 = vector.extract %slice3A_107[0] : i32 from vector<1xi32>
    %add3A_109 = arith.addi %squeeze3A_106, %squeeze3A_108 : i32
    %slice3A_110 = vector.extract_strided_slice %while3A_104 {offsets = [2], sizes = [1], strides = [1]} : vector<16xi32> to vector<1xi32>
    %squeeze3A_111 = vector.extract %slice3A_110[0] : i32 from vector<1xi32>
    %add3A_112 = arith.addi %add3A_109, %squeeze3A_111 : i32
    %slice3A_113 = vector.extract_strided_slice %while3A_104 {offsets = [3], sizes = [1], strides = [1]} : vector<16xi32> to vector<1xi32>
    %squeeze3A_114 = vector.extract %slice3A_113[0] : i32 from vector<1xi32>
    %add3A_115 = arith.addi %add3A_112, %squeeze3A_114 : i32
    %slice3A_116 = vector.extract_strided_slice %while3A_104 {offsets = [4], sizes = [1], strides = [1]} : vector<16xi32> to vector<1xi32>
    %squeeze3A_117 = vector.extract %slice3A_116[0] : i32 from vector<1xi32>
    %add3A_118 = arith.addi %add3A_115, %squeeze3A_117 : i32
    %slice3A_119 = vector.extract_strided_slice %while3A_104 {offsets = [5], sizes = [1], strides = [1]} : vector<16xi32> to vector<1xi32>
    %squeeze3A_120 = vector.extract %slice3A_119[0] : i32 from vector<1xi32>
    %add3A_121 = arith.addi %add3A_118, %squeeze3A_120 : i32
    %slice3A_122 = vector.extract_strided_slice %while3A_104 {offsets = [6], sizes = [1], strides = [1]} : vector<16xi32> to vector<1xi32>
    %squeeze3A_123 = vector.extract %slice3A_122[0] : i32 from vector<1xi32>
    %add3A_124 = arith.addi %add3A_121, %squeeze3A_123 : i32
    %slice3A_125 = vector.extract_strided_slice %while3A_104 {offsets = [7], sizes = [1], strides = [1]} : vector<16xi32> to vector<1xi32>
    %squeeze3A_126 = vector.extract %slice3A_125[0] : i32 from vector<1xi32>
    %add3A_127 = arith.addi %add3A_124, %squeeze3A_126 : i32
    %slice3A_128 = vector.extract_strided_slice %while3A_104 {offsets = [8], sizes = [1], strides = [1]} : vector<16xi32> to vector<1xi32>
    %squeeze3A_129 = vector.extract %slice3A_128[0] : i32 from vector<1xi32>
    %add3A_130 = arith.addi %add3A_127, %squeeze3A_129 : i32
    %slice3A_131 = vector.extract_strided_slice %while3A_104 {offsets = [9], sizes = [1], strides = [1]} : vector<16xi32> to vector<1xi32>
    %squeeze3A_132 = vector.extract %slice3A_131[0] : i32 from vector<1xi32>
    %add3A_133 = arith.addi %add3A_130, %squeeze3A_132 : i32
    %slice3A_134 = vector.extract_strided_slice %while3A_104 {offsets = [10], sizes = [1], strides = [1]} : vector<16xi32> to vector<1xi32>
    %squeeze3A_135 = vector.extract %slice3A_134[0] : i32 from vector<1xi32>
    %add3A_136 = arith.addi %add3A_133, %squeeze3A_135 : i32
    %slice3A_137 = vector.extract_strided_slice %while3A_104 {offsets = [11], sizes = [1], strides = [1]} : vector<16xi32> to vector<1xi32>
    %squeeze3A_138 = vector.extract %slice3A_137[0] : i32 from vector<1xi32>
    %add3A_139 = arith.addi %add3A_136, %squeeze3A_138 : i32
    %slice3A_140 = vector.extract_strided_slice %while3A_104 {offsets = [12], sizes = [1], strides = [1]} : vector<16xi32> to vector<1xi32>
    %squeeze3A_141 = vector.extract %slice3A_140[0] : i32 from vector<1xi32>
    %add3A_142 = arith.addi %add3A_139, %squeeze3A_141 : i32
    %slice3A_143 = vector.extract_strided_slice %while3A_104 {offsets = [13], sizes = [1], strides = [1]} : vector<16xi32> to vector<1xi32>
    %squeeze3A_144 = vector.extract %slice3A_143[0] : i32 from vector<1xi32>
    %add3A_145 = arith.addi %add3A_142, %squeeze3A_144 : i32
    %slice3A_146 = vector.extract_strided_slice %while3A_104 {offsets = [14], sizes = [1], strides = [1]} : vector<16xi32> to vector<1xi32>
    %squeeze3A_147 = vector.extract %slice3A_146[0] : i32 from vector<1xi32>
    %add3A_148 = arith.addi %add3A_145, %squeeze3A_147 : i32
    %slice3A_149 = vector.extract_strided_slice %while3A_104 {offsets = [15], sizes = [1], strides = [1]} : vector<16xi32> to vector<1xi32>
    %squeeze3A_150 = vector.extract %slice3A_149[0] : i32 from vector<1xi32>
    %add3A_151 = arith.addi %add3A_148, %squeeze3A_150 : i32
    %sub3A_152 = arith.subi %add3A_151, %mul3A_32 : i32
    %jit3A_153 = arith.constant 0 : i32
    %jit3A_154 = arith.constant 512 : i32
    %max3A = arith.maxsi %jit3A_153, %sub3A_152 : i32
    %min3A = arith.minsi %jit3A_154, %max3A : i32
    %add3A_155 = arith.addi %add3A_92, %mul3A_32 : i32
    %mul3A_156 = arith.constant 512 : i32
    %mul3A_157 = arith.muli %add3A, %mul3A_156 : i32
    %iota3A = tpu.iota {dimensions = array<i32: 0>} : vector<16xi32>
    %scan3A = arith.constant 0 : i32
    %scan3A_158 = arith.constant 32 : i32
    %scan3A_159 = arith.addi %scan3A, %scan3A_158 : i32
    %scan3A_160 = arith.constant 1 : i32
    scf.for %scan3A_225 = %scan3A to %scan3A_159 step %scan3A_160  : i32 {
      %mul3A_226 = arith.constant 1 : i32
      %mul3A_227 = arith.muli %scan3A_225, %mul3A_226 : i32
      %add3A_228 = arith.constant 0 : i32
      %add3A_229 = arith.addi %add3A_228, %mul3A_227 : i32
      %mul3A_230 = arith.constant 16 : i32
      %mul3A_231 = arith.muli %add3A_229, %mul3A_230 : i32
      %add3A_232 = vector.broadcast %mul3A_231 : i32 to vector<16xi32>
      %add3A_233 = arith.addi %add3A_232, %iota3A : vector<16xi32>
      %lt3A_234 = vector.broadcast %min3A : i32 to vector<16xi32>
      %lt3A_235 = arith.cmpi slt, %add3A_233, %lt3A_234 : vector<16xi32>
      %add3A_236 = vector.broadcast %add3A_155 : i32 to vector<16xi32>
      %add3A_237 = arith.addi %add3A_236, %add3A_233 : vector<16xi32>
      %jit3A_238 = arith.constant 16383 : i32
      %broadcast_in_dim3A_239 = vector.broadcast %jit3A_238 : i32 to vector<16xi32>
      %select_n3A_240 = arith.select %lt3A_235, %add3A_237, %broadcast_in_dim3A_239 : vector<16xi1>, vector<16xi32>
      %mul3A_241 = arith.constant 16 : i32
      %mul3A_242 = arith.muli %add3A_229, %mul3A_241 : i32
      %swap3A = arith.index_cast %mul3A_242 : i32 to index
      %swap3A_243 = tpu.vector_load %arg6[%swap3A] {strides = array<i32>} : memref<512xi32, #tpu.memory_space<vmem>>, vector<16xi32>,
      %swap3A_244 = vector.shape_cast %swap3A_243 : vector<16xi32> to vector<16xi32>
      %swap3A_245 = vector.shape_cast %select_n3A_240 : vector<16xi32> to vector<16xi32>
      tpu.vector_store %arg6[%swap3A], %swap3A_245 {strides = array<i32>} : memref<512xi32, #tpu.memory_space<vmem>>, vector<16xi32>,
    }
    %scan3A_161 = arith.constant 32 : i32
    %rem3A_162 = arith.constant 0 : i32
    %rem3A_163 = arith.constant 3 : i32
    %rem3A_164 = arith.remsi %rem3A_162, %rem3A_163 : i32
    %dma_start3A = arith.constant 0 : i32
    %dma_start3A_165 = arith.constant 0 : i32
    %dma_start3A_166 = tpu.memref_slice %arg7[%rem3A_164, %dma_start3A, %dma_start3A_165] : memref<3x8x4096xf32, #tpu.memory_space<vmem>> -> memref<1x8x4096xf32, #tpu.memory_space<vmem>>
    %dma_start3A_167 = tpu.memref_squeeze %dma_start3A_166 : memref<1x8x4096xf32, #tpu.memory_space<vmem>> -> memref<8x4096xf32, #tpu.memory_space<vmem>>
    %dma_start3A_168 = arith.constant 0 : i32
    %dma_start3A_169 = tpu.memref_slice %arg6[%dma_start3A_168] : memref<512xi32, #tpu.memory_space<vmem>> -> memref<8xi32, #tpu.memory_space<vmem>>
    %dma_start3A_170 = arith.constant 0 : i32
    %dma_start3A_171 = arith.constant 0 : i32
    %dma_start3A_172 = tpu.memref_slice %arg2[%dma_start3A_170, %dma_start3A_171] : memref<16384x4096xf32, #tpu.memory_space<hbm>> -> memref<16384x4096xf32, #tpu.memory_space<hbm>>
    tpu.enqueue_indirect_dma source(%dma_start3A_172 : memref<16384x4096xf32, #tpu.memory_space<hbm>>) target(%dma_start3A_167 : memref<8x4096xf32, #tpu.memory_space<vmem>>) offsets(%dma_start3A_169 : memref<8xi32, #tpu.memory_space<vmem>>) semaphore(%arg8 : memref<!tpu.dma_semaphore, #tpu.memory_space<semaphore_mem>>)
    %scan3A_173 = arith.constant 0 : i32
    %scan3A_174 = arith.constant 64 : i32
    %scan3A_175 = arith.addi %scan3A_173, %scan3A_174 : i32
    %scan3A_176 = arith.constant 1 : i32
    scf.for %scan3A_225 = %scan3A_173 to %scan3A_175 step %scan3A_176  : i32 {
      %mul3A_226 = arith.constant 1 : i32
      %mul3A_227 = arith.muli %scan3A_225, %mul3A_226 : i32
      %add3A_228 = arith.constant 0 : i32
      %add3A_229 = arith.addi %add3A_228, %mul3A_227 : i32
      %add3A_230 = arith.constant 1 : i32
      %add3A_231 = arith.addi %add3A_229, %add3A_230 : i32
      %lt3A_232 = arith.constant 64 : i32
      %lt3A_233 = arith.cmpi slt, %add3A_231, %lt3A_232 : i32
      %convert_element_type3A = arith.extui %lt3A_233 : i1 to i32
      %cond3A = arith.constant 0 : i32
      %cond3A_234 = arith.cmpi ne, %convert_element_type3A, %cond3A : i32
      scf.if %cond3A_234 {
        %add3A_263 = arith.constant 1 : i32
        %add3A_264 = arith.addi %add3A_229, %add3A_263 : i32
        %ge3A = arith.constant 3 : i32
        %ge3A_265 = arith.cmpi sge, %add3A_264, %ge3A : i32
        %convert_element_type3A_266 = arith.extui %ge3A_265 : i1 to i32
        %cond3A_267 = arith.constant 0 : i32
        %cond3A_268 = arith.cmpi ne, %convert_element_type3A_266, %cond3A_267 : i32
        scf.if %cond3A_268 {
          %add3A_283 = arith.constant 1 : i32
          %add3A_284 = arith.addi %add3A_229, %add3A_283 : i32
          %sub3A_285 = arith.constant 3 : i32
          %sub3A_286 = arith.subi %add3A_284, %sub3A_285 : i32
          %rem3A_287 = arith.constant 3 : i32
          %rem3A_288 = arith.remsi %sub3A_286, %rem3A_287 : i32
          %mul3A_289 = arith.constant 8 : i32
          %mul3A_290 = arith.muli %sub3A_286, %mul3A_289 : i32
          %add3A_291 = arith.addi %mul3A_157, %mul3A_290 : i32
          %dma_wait3A_292 = arith.constant 0 : i32
          %dma_wait3A_293 = arith.constant 0 : i32
          %dma_wait3A_294 = tpu.memref_slice %arg7[%rem3A_288, %dma_wait3A_292, %dma_wait3A_293] : memref<3x8x4096xf32, #tpu.memory_space<vmem>> -> memref<1x8x4096xf32, #tpu.memory_space<vmem>>
          %dma_wait3A_295 = tpu.memref_squeeze %dma_wait3A_294 : memref<1x8x4096xf32, #tpu.memory_space<vmem>> -> memref<8x4096xf32, #tpu.memory_space<vmem>>
          %dma_wait3A_296 = arith.constant 0 : i32
          %dma_wait3A_297 = tpu.memref_slice %arg4[%add3A_291, %dma_wait3A_296] : memref<16384x4096xf32, #tpu.memory_space<hbm>> -> memref<8x4096xf32, #tpu.memory_space<hbm>>
          %dma_wait3A_298 = arith.constant 0 : i32
          %dma_wait3A_299 = tpu.memref_slice %arg4[%add3A_291, %dma_wait3A_298] : memref<16384x4096xf32, #tpu.memory_space<hbm>> -> memref<8x4096xf32, #tpu.memory_space<hbm>>
          %dma_wait3A_300 = arith.constant 0 : i32
          %dma_wait3A_301 = arith.constant 0 : i32
          %dma_wait3A_302 = tpu.memref_slice %arg7[%rem3A_288, %dma_wait3A_300, %dma_wait3A_301] : memref<3x8x4096xf32, #tpu.memory_space<vmem>> -> memref<1x8x4096xf32, #tpu.memory_space<vmem>>
          %dma_wait3A_303 = tpu.memref_squeeze %dma_wait3A_302 : memref<1x8x4096xf32, #tpu.memory_space<vmem>> -> memref<8x4096xf32, #tpu.memory_space<vmem>>
          tpu.wait_dma2 semaphore(%arg9 : memref<!tpu.dma_semaphore, #tpu.memory_space<semaphore_mem>>) src(%dma_wait3A_303 : memref<8x4096xf32, #tpu.memory_space<vmem>>) dst(%dma_wait3A_299 : memref<8x4096xf32, #tpu.memory_space<hbm>>)
        } else {
        }
        %add3A_269 = arith.constant 1 : i32
        %add3A_270 = arith.addi %add3A_229, %add3A_269 : i32
        %rem3A_271 = arith.constant 3 : i32
        %rem3A_272 = arith.remsi %add3A_270, %rem3A_271 : i32
        %mul3A_273 = arith.constant 8 : i32
        %mul3A_274 = arith.muli %add3A_270, %mul3A_273 : i32
        %dma_start3A_275 = arith.constant 0 : i32
        %dma_start3A_276 = arith.constant 0 : i32
        %dma_start3A_277 = tpu.memref_slice %arg7[%rem3A_272, %dma_start3A_275, %dma_start3A_276] : memref<3x8x4096xf32, #tpu.memory_space<vmem>> -> memref<1x8x4096xf32, #tpu.memory_space<vmem>>
        %dma_start3A_278 = tpu.memref_squeeze %dma_start3A_277 : memref<1x8x4096xf32, #tpu.memory_space<vmem>> -> memref<8x4096xf32, #tpu.memory_space<vmem>>
        %dma_start3A_279 = tpu.memref_slice %arg6[%mul3A_274] : memref<512xi32, #tpu.memory_space<vmem>> -> memref<8xi32, #tpu.memory_space<vmem>>
        %dma_start3A_280 = arith.constant 0 : i32
        %dma_start3A_281 = arith.constant 0 : i32
        %dma_start3A_282 = tpu.memref_slice %arg2[%dma_start3A_280, %dma_start3A_281] : memref<16384x4096xf32, #tpu.memory_space<hbm>> -> memref<16384x4096xf32, #tpu.memory_space<hbm>>
        tpu.enqueue_indirect_dma source(%dma_start3A_282 : memref<16384x4096xf32, #tpu.memory_space<hbm>>) target(%dma_start3A_278 : memref<8x4096xf32, #tpu.memory_space<vmem>>) offsets(%dma_start3A_279 : memref<8xi32, #tpu.memory_space<vmem>>) semaphore(%arg8 : memref<!tpu.dma_semaphore, #tpu.memory_space<semaphore_mem>>)
      } else {
      }
      %rem3A_235 = arith.constant 3 : i32
      %rem3A_236 = arith.remsi %add3A_229, %rem3A_235 : i32
      %mul3A_237 = arith.constant 8 : i32
      %mul3A_238 = arith.muli %add3A_229, %mul3A_237 : i32
      %dma_wait3A = arith.constant 0 : i32
      %dma_wait3A_239 = arith.constant 0 : i32
      %dma_wait3A_240 = tpu.memref_slice %arg7[%rem3A_236, %dma_wait3A, %dma_wait3A_239] : memref<3x8x4096xf32, #tpu.memory_space<vmem>> -> memref<1x8x4096xf32, #tpu.memory_space<vmem>>
      %dma_wait3A_241 = tpu.memref_squeeze %dma_wait3A_240 : memref<1x8x4096xf32, #tpu.memory_space<vmem>> -> memref<8x4096xf32, #tpu.memory_space<vmem>>
      %dma_wait3A_242 = tpu.memref_slice %arg6[%mul3A_238] : memref<512xi32, #tpu.memory_space<vmem>> -> memref<8xi32, #tpu.memory_space<vmem>>
      %dma_wait3A_243 = arith.constant 0 : i32
      %dma_wait3A_244 = arith.constant 0 : i32
      %dma_wait3A_245 = tpu.memref_slice %arg2[%dma_wait3A_243, %dma_wait3A_244] : memref<16384x4096xf32, #tpu.memory_space<hbm>> -> memref<16384x4096xf32, #tpu.memory_space<hbm>>
      tpu.wait_indirect_dma semaphore(%arg8 : memref<!tpu.dma_semaphore, #tpu.memory_space<semaphore_mem>>) src(%dma_wait3A_245 : memref<16384x4096xf32, #tpu.memory_space<hbm>>) dst(%dma_wait3A_241 : memref<8x4096xf32, #tpu.memory_space<vmem>>)
      %rem3A_246 = arith.constant 3 : i32
      %rem3A_247 = arith.remsi %add3A_229, %rem3A_246 : i32
      %mul3A_248 = arith.constant 8 : i32
      %mul3A_249 = arith.muli %add3A_229, %mul3A_248 : i32
      %add3A_250 = arith.addi %mul3A_157, %mul3A_249 : i32
      %dma_start3A_251 = arith.constant 0 : i32
      %dma_start3A_252 = arith.constant 0 : i32
      %dma_start3A_253 = tpu.memref_slice %arg7[%rem3A_247, %dma_start3A_251, %dma_start3A_252] : memref<3x8x4096xf32, #tpu.memory_space<vmem>> -> memref<1x8x4096xf32, #tpu.memory_space<vmem>>
      %dma_start3A_254 = tpu.memref_squeeze %dma_start3A_253 : memref<1x8x4096xf32, #tpu.memory_space<vmem>> -> memref<8x4096xf32, #tpu.memory_space<vmem>>
      %dma_start3A_255 = arith.constant 0 : i32
      %dma_start3A_256 = tpu.memref_slice %arg4[%add3A_250, %dma_start3A_255] : memref<16384x4096xf32, #tpu.memory_space<hbm>> -> memref<8x4096xf32, #tpu.memory_space<hbm>>
      %dma_start3A_257 = arith.constant 0 : i32
      %dma_start3A_258 = tpu.memref_slice %arg4[%add3A_250, %dma_start3A_257] : memref<16384x4096xf32, #tpu.memory_space<hbm>> -> memref<8x4096xf32, #tpu.memory_space<hbm>>
      %dma_start3A_259 = arith.constant 0 : i32
      %dma_start3A_260 = arith.constant 0 : i32
      %dma_start3A_261 = tpu.memref_slice %arg7[%rem3A_247, %dma_start3A_259, %dma_start3A_260] : memref<3x8x4096xf32, #tpu.memory_space<vmem>> -> memref<1x8x4096xf32, #tpu.memory_space<vmem>>
      %dma_start3A_262 = tpu.memref_squeeze %dma_start3A_261 : memref<1x8x4096xf32, #tpu.memory_space<vmem>> -> memref<8x4096xf32, #tpu.memory_space<vmem>>
      tpu.enqueue_dma source(%dma_start3A_262 : memref<8x4096xf32, #tpu.memory_space<vmem>>) target(%dma_start3A_258 : memref<8x4096xf32, #tpu.memory_space<hbm>>) target_semaphore(%arg9 : memref<!tpu.dma_semaphore, #tpu.memory_space<semaphore_mem>>)
    }
    %scan3A_177 = arith.constant 64 : i32
    %scan3A_178 = arith.constant 0 : i32
    %scan3A_179 = arith.constant 3 : i32
    %scan3A_180 = arith.addi %scan3A_178, %scan3A_179 : i32
    %scan3A_181 = arith.constant 1 : i32
    scf.for %scan3A_225 = %scan3A_178 to %scan3A_180 step %scan3A_181  : i32 {
      %mul3A_226 = arith.constant 1 : i32
      %mul3A_227 = arith.muli %scan3A_225, %mul3A_226 : i32
      %add3A_228 = arith.constant 61 : i32
      %add3A_229 = arith.addi %add3A_228, %mul3A_227 : i32
      %rem3A_230 = arith.constant 3 : i32
      %rem3A_231 = arith.remsi %add3A_229, %rem3A_230 : i32
      %mul3A_232 = arith.constant 8 : i32
      %mul3A_233 = arith.muli %add3A_229, %mul3A_232 : i32
      %add3A_234 = arith.addi %mul3A_157, %mul3A_233 : i32
      %dma_wait3A = arith.constant 0 : i32
      %dma_wait3A_235 = arith.constant 0 : i32
      %dma_wait3A_236 = tpu.memref_slice %arg7[%rem3A_231, %dma_wait3A, %dma_wait3A_235] : memref<3x8x4096xf32, #tpu.memory_space<vmem>> -> memref<1x8x4096xf32, #tpu.memory_space<vmem>>
      %dma_wait3A_237 = tpu.memref_squeeze %dma_wait3A_236 : memref<1x8x4096xf32, #tpu.memory_space<vmem>> -> memref<8x4096xf32, #tpu.memory_space<vmem>>
      %dma_wait3A_238 = arith.constant 0 : i32
      %dma_wait3A_239 = tpu.memref_slice %arg4[%add3A_234, %dma_wait3A_238] : memref<16384x4096xf32, #tpu.memory_space<hbm>> -> memref<8x4096xf32, #tpu.memory_space<hbm>>
      %dma_wait3A_240 = arith.constant 0 : i32
      %dma_wait3A_241 = tpu.memref_slice %arg4[%add3A_234, %dma_wait3A_240] : memref<16384x4096xf32, #tpu.memory_space<hbm>> -> memref<8x4096xf32, #tpu.memory_space<hbm>>
      %dma_wait3A_242 = arith.constant 0 : i32
      %dma_wait3A_243 = arith.constant 0 : i32
      %dma_wait3A_244 = tpu.memref_slice %arg7[%rem3A_231, %dma_wait3A_242, %dma_wait3A_243] : memref<3x8x4096xf32, #tpu.memory_space<vmem>> -> memref<1x8x4096xf32, #tpu.memory_space<vmem>>
      %dma_wait3A_245 = tpu.memref_squeeze %dma_wait3A_244 : memref<1x8x4096xf32, #tpu.memory_space<vmem>> -> memref<8x4096xf32, #tpu.memory_space<vmem>>
      tpu.wait_dma2 semaphore(%arg9 : memref<!tpu.dma_semaphore, #tpu.memory_space<semaphore_mem>>) src(%dma_wait3A_245 : memref<8x4096xf32, #tpu.memory_space<vmem>>) dst(%dma_wait3A_241 : memref<8x4096xf32, #tpu.memory_space<hbm>>)
    }
    %scan3A_182 = arith.constant 3 : i32
    %jit3A_183 = arith.constant 8 : i32
    %div3A_184 = arith.divsi %min3A, %jit3A_183 : i32
    %sign3A_185 = arith.constant 0 : i32
    %sign3A_186 = arith.cmpi sgt, %min3A, %sign3A_185 : i32
    %sign3A_187 = arith.extui %sign3A_186 : i1 to i32
    %sign3A_188 = arith.constant 0 : i32
    %sign3A_189 = arith.cmpi slt, %min3A, %sign3A_188 : i32
    %sign3A_190 = arith.extui %sign3A_189 : i1 to i32
    %sign3A_191 = arith.subi %sign3A_187, %sign3A_190 : i32
    %sign3A_192 = arith.constant 0 : i32
    %sign3A_193 = arith.cmpi sgt, %jit3A_183, %sign3A_192 : i32
    %sign3A_194 = arith.extui %sign3A_193 : i1 to i32
    %sign3A_195 = arith.constant 0 : i32
    %sign3A_196 = arith.cmpi slt, %jit3A_183, %sign3A_195 : i32
    %sign3A_197 = arith.extui %sign3A_196 : i1 to i32
    %sign3A_198 = arith.subi %sign3A_194, %sign3A_197 : i32
    %ne3A_199 = arith.cmpi ne, %sign3A_191, %sign3A_198 : i32
    %rem3A_200 = arith.remsi %min3A, %jit3A_183 : i32
    %ne3A_201 = arith.constant 0 : i32
    %ne3A_202 = arith.cmpi ne, %rem3A_200, %ne3A_201 : i32
    %and3A_203 = arith.andi %ne3A_199, %ne3A_202 : i1
    %sub3A_204 = arith.constant 1 : i32
    %sub3A_205 = arith.subi %div3A_184, %sub3A_204 : i32
    %select_n3A_206 = arith.select %and3A_203, %sub3A_205, %div3A_184 : i32
    %sub3A_207 = arith.constant 64 : i32
    %sub3A_208 = arith.subi %sub3A_207, %select_n3A_206 : i32
    %sub3A_209 = arith.constant 1 : i32
    %sub3A_210 = arith.constant 1 : i32
    %sub3A_211 = arith.subi %sub3A_209, %sub3A_210 : i32
    %add3A_212 = arith.addi %sub3A_208, %sub3A_211 : i32
    %div3A_213 = arith.constant 1 : i32
    %div3A_214 = arith.divsi %add3A_212, %div3A_213 : i32
    %while3A_215 = arith.constant 1 : i32
    %while3A_216 = arith.constant 0 : i32
    %while3A_217 = arith.subi %div3A_214, %while3A_216 : i32
    %while3A_218 = arith.addi %while3A_216, %while3A_217 : i32
    %while3A_219 = arith.constant 1 : i32
    %while3A_220 = arith.divsi %while3A_217, %while3A_219 : i32
    %while3A_221 = arith.muli %while3A_220, %while3A_219 : i32
    %while3A_222 = arith.addi %while3A_216, %while3A_221 : i32
    %while3A_223 = arith.constant 1 : i32
    scf.for %while3A_225 = %while3A_216 to %while3A_222 step %while3A_223  : i32 {
      %mul3A_226 = arith.muli %while3A_225, %while3A_215 : i32
      %add3A_227 = arith.addi %select_n3A_206, %mul3A_226 : i32
      %mul3A_228 = arith.constant 8 : i32
      %mul3A_229 = arith.muli %add3A_227, %mul3A_228 : i32
      %sub3A_230 = arith.subi %min3A, %mul3A_229 : i32
      %jit3A_231 = arith.constant 0 : i32
      %jit3A_232 = arith.constant 8 : i32
      %max3A_233 = arith.maxsi %jit3A_231, %sub3A_230 : i32
      %min3A_234 = arith.minsi %jit3A_232, %max3A_233 : i32
      %mul3A_235 = arith.constant 8 : i32
      %mul3A_236 = arith.muli %add3A_227, %mul3A_235 : i32
      %dma_start3A_237 = arith.constant 0 : i32
      %dma_start3A_238 = arith.constant 0 : i32
      %dma_start3A_239 = arith.constant 0 : i32
      %dma_start3A_240 = tpu.memref_slice %arg7[%dma_start3A_237, %dma_start3A_238, %dma_start3A_239] : memref<3x8x4096xf32, #tpu.memory_space<vmem>> -> memref<1x8x4096xf32, #tpu.memory_space<vmem>>
      %dma_start3A_241 = tpu.memref_squeeze %dma_start3A_240 : memref<1x8x4096xf32, #tpu.memory_space<vmem>> -> memref<8x4096xf32, #tpu.memory_space<vmem>>
      %dma_start3A_242 = tpu.memref_slice %arg6[%mul3A_236] : memref<512xi32, #tpu.memory_space<vmem>> -> memref<8xi32, #tpu.memory_space<vmem>>
      %dma_start3A_243 = arith.constant 0 : i32
      %dma_start3A_244 = arith.constant 0 : i32
      %dma_start3A_245 = tpu.memref_slice %arg2[%dma_start3A_243, %dma_start3A_244] : memref<16384x4096xf32, #tpu.memory_space<hbm>> -> memref<16384x4096xf32, #tpu.memory_space<hbm>>
      tpu.enqueue_indirect_dma source(%dma_start3A_245 : memref<16384x4096xf32, #tpu.memory_space<hbm>>) target(%dma_start3A_241 : memref<8x4096xf32, #tpu.memory_space<vmem>>) offsets(%dma_start3A_242 : memref<8xi32, #tpu.memory_space<vmem>>) semaphore(%arg8 : memref<!tpu.dma_semaphore, #tpu.memory_space<semaphore_mem>>)
      %dma_wait3A = arith.constant 0 : i32
      %dma_wait3A_246 = arith.constant 0 : i32
      %dma_wait3A_247 = arith.constant 0 : i32
      %dma_wait3A_248 = tpu.memref_slice %arg7[%dma_wait3A, %dma_wait3A_246, %dma_wait3A_247] : memref<3x8x4096xf32, #tpu.memory_space<vmem>> -> memref<1x8x4096xf32, #tpu.memory_space<vmem>>
      %dma_wait3A_249 = tpu.memref_squeeze %dma_wait3A_248 : memref<1x8x4096xf32, #tpu.memory_space<vmem>> -> memref<8x4096xf32, #tpu.memory_space<vmem>>
      %dma_wait3A_250 = tpu.memref_slice %arg6[%mul3A_236] : memref<512xi32, #tpu.memory_space<vmem>> -> memref<8xi32, #tpu.memory_space<vmem>>
      %dma_wait3A_251 = arith.constant 0 : i32
      %dma_wait3A_252 = arith.constant 0 : i32
      %dma_wait3A_253 = tpu.memref_slice %arg2[%dma_wait3A_251, %dma_wait3A_252] : memref<16384x4096xf32, #tpu.memory_space<hbm>> -> memref<16384x4096xf32, #tpu.memory_space<hbm>>
      tpu.wait_indirect_dma semaphore(%arg8 : memref<!tpu.dma_semaphore, #tpu.memory_space<semaphore_mem>>) src(%dma_wait3A_253 : memref<16384x4096xf32, #tpu.memory_space<hbm>>) dst(%dma_wait3A_249 : memref<8x4096xf32, #tpu.memory_space<vmem>>)
      %le3A = arith.constant 0 : i32
      %le3A_254 = arith.cmpi sle, %min3A_234, %le3A : i32
      %convert_element_type3A = arith.extui %le3A_254 : i1 to i32
      %cond3A = arith.constant 0 : i32
      %cond3A_255 = arith.cmpi ne, %convert_element_type3A, %cond3A : i32
      scf.if %cond3A_255 {
        %scan3A_320 = arith.constant 0 : i32
        %scan3A_321 = arith.constant 256 : i32
        %scan3A_322 = arith.addi %scan3A_320, %scan3A_321 : i32
        %scan3A_323 = arith.constant 1 : i32
        scf.for %scan3A_325 = %scan3A_320 to %scan3A_322 step %scan3A_323  : i32 {
          %mul3A_326 = arith.constant 1 : i32
          %mul3A_327 = arith.muli %scan3A_325, %mul3A_326 : i32
          %add3A_328 = arith.constant 0 : i32
          %add3A_329 = arith.addi %add3A_328, %mul3A_327 : i32
          %broadcast_in_dim3A_330 = arith.constant 0.000000e+00 : f32
          %broadcast_in_dim3A_331 = vector.broadcast %broadcast_in_dim3A_330 : f32 to vector<16xf32>
          %mul3A_332 = arith.constant 16 : i32
          %mul3A_333 = arith.muli %add3A_329, %mul3A_332 : i32
          %swap3A = arith.constant 0 : i32
          %swap3A_334 = arith.constant 0 : i32
          %swap3A_335 = arith.index_cast %swap3A : i32 to index
          %swap3A_336 = arith.index_cast %swap3A_334 : i32 to index
          %swap3A_337 = arith.index_cast %mul3A_333 : i32 to index
          %swap3A_338 = tpu.vector_load %arg7[%swap3A_335, %swap3A_336, %swap3A_337] {strides = array<i32>} : memref<3x8x4096xf32, #tpu.memory_space<vmem>>, vector<1x1x16xf32>,
          %swap3A_339 = vector.shape_cast %swap3A_338 : vector<1x1x16xf32> to vector<16xf32>
          %swap3A_340 = vector.shape_cast %broadcast_in_dim3A_331 : vector<16xf32> to vector<1x1x16xf32>
          tpu.vector_store %arg7[%swap3A_335, %swap3A_336, %swap3A_337], %swap3A_340 {strides = array<i32>} : memref<3x8x4096xf32, #tpu.memory_space<vmem>>, vector<1x1x16xf32>,
        }
        %scan3A_324 = arith.constant 256 : i32
      } else {
      }
      %le3A_256 = arith.constant 1 : i32
      %le3A_257 = arith.cmpi sle, %min3A_234, %le3A_256 : i32
      %convert_element_type3A_258 = arith.extui %le3A_257 : i1 to i32
      %cond3A_259 = arith.constant 0 : i32
      %cond3A_260 = arith.cmpi ne, %convert_element_type3A_258, %cond3A_259 : i32
      scf.if %cond3A_260 {
        %scan3A_320 = arith.constant 0 : i32
        %scan3A_321 = arith.constant 256 : i32
        %scan3A_322 = arith.addi %scan3A_320, %scan3A_321 : i32
        %scan3A_323 = arith.constant 1 : i32
        scf.for %scan3A_325 = %scan3A_320 to %scan3A_322 step %scan3A_323  : i32 {
          %mul3A_326 = arith.constant 1 : i32
          %mul3A_327 = arith.muli %scan3A_325, %mul3A_326 : i32
          %add3A_328 = arith.constant 0 : i32
          %add3A_329 = arith.addi %add3A_328, %mul3A_327 : i32
          %broadcast_in_dim3A_330 = arith.constant 0.000000e+00 : f32
          %broadcast_in_dim3A_331 = vector.broadcast %broadcast_in_dim3A_330 : f32 to vector<16xf32>
          %mul3A_332 = arith.constant 16 : i32
          %mul3A_333 = arith.muli %add3A_329, %mul3A_332 : i32
          %swap3A = arith.constant 0 : i32
          %swap3A_334 = arith.constant 1 : i32
          %swap3A_335 = arith.index_cast %swap3A : i32 to index
          %swap3A_336 = arith.index_cast %swap3A_334 : i32 to index
          %swap3A_337 = arith.index_cast %mul3A_333 : i32 to index
          %swap3A_338 = tpu.vector_load %arg7[%swap3A_335, %swap3A_336, %swap3A_337] {strides = array<i32>} : memref<3x8x4096xf32, #tpu.memory_space<vmem>>, vector<1x1x16xf32>,
          %swap3A_339 = vector.shape_cast %swap3A_338 : vector<1x1x16xf32> to vector<16xf32>
          %swap3A_340 = vector.shape_cast %broadcast_in_dim3A_331 : vector<16xf32> to vector<1x1x16xf32>
          tpu.vector_store %arg7[%swap3A_335, %swap3A_336, %swap3A_337], %swap3A_340 {strides = array<i32>} : memref<3x8x4096xf32, #tpu.memory_space<vmem>>, vector<1x1x16xf32>,
        }
        %scan3A_324 = arith.constant 256 : i32
      } else {
      }
      %le3A_261 = arith.constant 2 : i32
      %le3A_262 = arith.cmpi sle, %min3A_234, %le3A_261 : i32
      %convert_element_type3A_263 = arith.extui %le3A_262 : i1 to i32
      %cond3A_264 = arith.constant 0 : i32
      %cond3A_265 = arith.cmpi ne, %convert_element_type3A_263, %cond3A_264 : i32
      scf.if %cond3A_265 {
        %scan3A_320 = arith.constant 0 : i32
        %scan3A_321 = arith.constant 256 : i32
        %scan3A_322 = arith.addi %scan3A_320, %scan3A_321 : i32
        %scan3A_323 = arith.constant 1 : i32
        scf.for %scan3A_325 = %scan3A_320 to %scan3A_322 step %scan3A_323  : i32 {
          %mul3A_326 = arith.constant 1 : i32
          %mul3A_327 = arith.muli %scan3A_325, %mul3A_326 : i32
          %add3A_328 = arith.constant 0 : i32
          %add3A_329 = arith.addi %add3A_328, %mul3A_327 : i32
          %broadcast_in_dim3A_330 = arith.constant 0.000000e+00 : f32
          %broadcast_in_dim3A_331 = vector.broadcast %broadcast_in_dim3A_330 : f32 to vector<16xf32>
          %mul3A_332 = arith.constant 16 : i32
          %mul3A_333 = arith.muli %add3A_329, %mul3A_332 : i32
          %swap3A = arith.constant 0 : i32
          %swap3A_334 = arith.constant 2 : i32
          %swap3A_335 = arith.index_cast %swap3A : i32 to index
          %swap3A_336 = arith.index_cast %swap3A_334 : i32 to index
          %swap3A_337 = arith.index_cast %mul3A_333 : i32 to index
          %swap3A_338 = tpu.vector_load %arg7[%swap3A_335, %swap3A_336, %swap3A_337] {strides = array<i32>} : memref<3x8x4096xf32, #tpu.memory_space<vmem>>, vector<1x1x16xf32>,
          %swap3A_339 = vector.shape_cast %swap3A_338 : vector<1x1x16xf32> to vector<16xf32>
          %swap3A_340 = vector.shape_cast %broadcast_in_dim3A_331 : vector<16xf32> to vector<1x1x16xf32>
          tpu.vector_store %arg7[%swap3A_335, %swap3A_336, %swap3A_337], %swap3A_340 {strides = array<i32>} : memref<3x8x4096xf32, #tpu.memory_space<vmem>>, vector<1x1x16xf32>,
        }
        %scan3A_324 = arith.constant 256 : i32
      } else {
      }
      %le3A_266 = arith.constant 3 : i32
      %le3A_267 = arith.cmpi sle, %min3A_234, %le3A_266 : i32
      %convert_element_type3A_268 = arith.extui %le3A_267 : i1 to i32
      %cond3A_269 = arith.constant 0 : i32
      %cond3A_270 = arith.cmpi ne, %convert_element_type3A_268, %cond3A_269 : i32
      scf.if %cond3A_270 {
        %scan3A_320 = arith.constant 0 : i32
        %scan3A_321 = arith.constant 256 : i32
        %scan3A_322 = arith.addi %scan3A_320, %scan3A_321 : i32
        %scan3A_323 = arith.constant 1 : i32
        scf.for %scan3A_325 = %scan3A_320 to %scan3A_322 step %scan3A_323  : i32 {
          %mul3A_326 = arith.constant 1 : i32
          %mul3A_327 = arith.muli %scan3A_325, %mul3A_326 : i32
          %add3A_328 = arith.constant 0 : i32
          %add3A_329 = arith.addi %add3A_328, %mul3A_327 : i32
          %broadcast_in_dim3A_330 = arith.constant 0.000000e+00 : f32
          %broadcast_in_dim3A_331 = vector.broadcast %broadcast_in_dim3A_330 : f32 to vector<16xf32>
          %mul3A_332 = arith.constant 16 : i32
          %mul3A_333 = arith.muli %add3A_329, %mul3A_332 : i32
          %swap3A = arith.constant 0 : i32
          %swap3A_334 = arith.constant 3 : i32
          %swap3A_335 = arith.index_cast %swap3A : i32 to index
          %swap3A_336 = arith.index_cast %swap3A_334 : i32 to index
          %swap3A_337 = arith.index_cast %mul3A_333 : i32 to index
          %swap3A_338 = tpu.vector_load %arg7[%swap3A_335, %swap3A_336, %swap3A_337] {strides = array<i32>} : memref<3x8x4096xf32, #tpu.memory_space<vmem>>, vector<1x1x16xf32>,
          %swap3A_339 = vector.shape_cast %swap3A_338 : vector<1x1x16xf32> to vector<16xf32>
          %swap3A_340 = vector.shape_cast %broadcast_in_dim3A_331 : vector<16xf32> to vector<1x1x16xf32>
          tpu.vector_store %arg7[%swap3A_335, %swap3A_336, %swap3A_337], %swap3A_340 {strides = array<i32>} : memref<3x8x4096xf32, #tpu.memory_space<vmem>>, vector<1x1x16xf32>,
        }
        %scan3A_324 = arith.constant 256 : i32
      } else {
      }
      %le3A_271 = arith.constant 4 : i32
      %le3A_272 = arith.cmpi sle, %min3A_234, %le3A_271 : i32
      %convert_element_type3A_273 = arith.extui %le3A_272 : i1 to i32
      %cond3A_274 = arith.constant 0 : i32
      %cond3A_275 = arith.cmpi ne, %convert_element_type3A_273, %cond3A_274 : i32
      scf.if %cond3A_275 {
        %scan3A_320 = arith.constant 0 : i32
        %scan3A_321 = arith.constant 256 : i32
        %scan3A_322 = arith.addi %scan3A_320, %scan3A_321 : i32
        %scan3A_323 = arith.constant 1 : i32
        scf.for %scan3A_325 = %scan3A_320 to %scan3A_322 step %scan3A_323  : i32 {
          %mul3A_326 = arith.constant 1 : i32
          %mul3A_327 = arith.muli %scan3A_325, %mul3A_326 : i32
          %add3A_328 = arith.constant 0 : i32
          %add3A_329 = arith.addi %add3A_328, %mul3A_327 : i32
          %broadcast_in_dim3A_330 = arith.constant 0.000000e+00 : f32
          %broadcast_in_dim3A_331 = vector.broadcast %broadcast_in_dim3A_330 : f32 to vector<16xf32>
          %mul3A_332 = arith.constant 16 : i32
          %mul3A_333 = arith.muli %add3A_329, %mul3A_332 : i32
          %swap3A = arith.constant 0 : i32
          %swap3A_334 = arith.constant 4 : i32
          %swap3A_335 = arith.index_cast %swap3A : i32 to index
          %swap3A_336 = arith.index_cast %swap3A_334 : i32 to index
          %swap3A_337 = arith.index_cast %mul3A_333 : i32 to index
          %swap3A_338 = tpu.vector_load %arg7[%swap3A_335, %swap3A_336, %swap3A_337] {strides = array<i32>} : memref<3x8x4096xf32, #tpu.memory_space<vmem>>, vector<1x1x16xf32>,
          %swap3A_339 = vector.shape_cast %swap3A_338 : vector<1x1x16xf32> to vector<16xf32>
          %swap3A_340 = vector.shape_cast %broadcast_in_dim3A_331 : vector<16xf32> to vector<1x1x16xf32>
          tpu.vector_store %arg7[%swap3A_335, %swap3A_336, %swap3A_337], %swap3A_340 {strides = array<i32>} : memref<3x8x4096xf32, #tpu.memory_space<vmem>>, vector<1x1x16xf32>,
        }
        %scan3A_324 = arith.constant 256 : i32
      } else {
      }
      %le3A_276 = arith.constant 5 : i32
      %le3A_277 = arith.cmpi sle, %min3A_234, %le3A_276 : i32
      %convert_element_type3A_278 = arith.extui %le3A_277 : i1 to i32
      %cond3A_279 = arith.constant 0 : i32
      %cond3A_280 = arith.cmpi ne, %convert_element_type3A_278, %cond3A_279 : i32
      scf.if %cond3A_280 {
        %scan3A_320 = arith.constant 0 : i32
        %scan3A_321 = arith.constant 256 : i32
        %scan3A_322 = arith.addi %scan3A_320, %scan3A_321 : i32
        %scan3A_323 = arith.constant 1 : i32
        scf.for %scan3A_325 = %scan3A_320 to %scan3A_322 step %scan3A_323  : i32 {
          %mul3A_326 = arith.constant 1 : i32
          %mul3A_327 = arith.muli %scan3A_325, %mul3A_326 : i32
          %add3A_328 = arith.constant 0 : i32
          %add3A_329 = arith.addi %add3A_328, %mul3A_327 : i32
          %broadcast_in_dim3A_330 = arith.constant 0.000000e+00 : f32
          %broadcast_in_dim3A_331 = vector.broadcast %broadcast_in_dim3A_330 : f32 to vector<16xf32>
          %mul3A_332 = arith.constant 16 : i32
          %mul3A_333 = arith.muli %add3A_329, %mul3A_332 : i32
          %swap3A = arith.constant 0 : i32
          %swap3A_334 = arith.constant 5 : i32
          %swap3A_335 = arith.index_cast %swap3A : i32 to index
          %swap3A_336 = arith.index_cast %swap3A_334 : i32 to index
          %swap3A_337 = arith.index_cast %mul3A_333 : i32 to index
          %swap3A_338 = tpu.vector_load %arg7[%swap3A_335, %swap3A_336, %swap3A_337] {strides = array<i32>} : memref<3x8x4096xf32, #tpu.memory_space<vmem>>, vector<1x1x16xf32>,
          %swap3A_339 = vector.shape_cast %swap3A_338 : vector<1x1x16xf32> to vector<16xf32>
          %swap3A_340 = vector.shape_cast %broadcast_in_dim3A_331 : vector<16xf32> to vector<1x1x16xf32>
          tpu.vector_store %arg7[%swap3A_335, %swap3A_336, %swap3A_337], %swap3A_340 {strides = array<i32>} : memref<3x8x4096xf32, #tpu.memory_space<vmem>>, vector<1x1x16xf32>,
        }
        %scan3A_324 = arith.constant 256 : i32
      } else {
      }
      %le3A_281 = arith.constant 6 : i32
      %le3A_282 = arith.cmpi sle, %min3A_234, %le3A_281 : i32
      %convert_element_type3A_283 = arith.extui %le3A_282 : i1 to i32
      %cond3A_284 = arith.constant 0 : i32
      %cond3A_285 = arith.cmpi ne, %convert_element_type3A_283, %cond3A_284 : i32
      scf.if %cond3A_285 {
        %scan3A_320 = arith.constant 0 : i32
        %scan3A_321 = arith.constant 256 : i32
        %scan3A_322 = arith.addi %scan3A_320, %scan3A_321 : i32
        %scan3A_323 = arith.constant 1 : i32
        scf.for %scan3A_325 = %scan3A_320 to %scan3A_322 step %scan3A_323  : i32 {
          %mul3A_326 = arith.constant 1 : i32
          %mul3A_327 = arith.muli %scan3A_325, %mul3A_326 : i32
          %add3A_328 = arith.constant 0 : i32
          %add3A_329 = arith.addi %add3A_328, %mul3A_327 : i32
          %broadcast_in_dim3A_330 = arith.constant 0.000000e+00 : f32
          %broadcast_in_dim3A_331 = vector.broadcast %broadcast_in_dim3A_330 : f32 to vector<16xf32>
          %mul3A_332 = arith.constant 16 : i32
          %mul3A_333 = arith.muli %add3A_329, %mul3A_332 : i32
          %swap3A = arith.constant 0 : i32
          %swap3A_334 = arith.constant 6 : i32
          %swap3A_335 = arith.index_cast %swap3A : i32 to index
          %swap3A_336 = arith.index_cast %swap3A_334 : i32 to index
          %swap3A_337 = arith.index_cast %mul3A_333 : i32 to index
          %swap3A_338 = tpu.vector_load %arg7[%swap3A_335, %swap3A_336, %swap3A_337] {strides = array<i32>} : memref<3x8x4096xf32, #tpu.memory_space<vmem>>, vector<1x1x16xf32>,
          %swap3A_339 = vector.shape_cast %swap3A_338 : vector<1x1x16xf32> to vector<16xf32>
          %swap3A_340 = vector.shape_cast %broadcast_in_dim3A_331 : vector<16xf32> to vector<1x1x16xf32>
          tpu.vector_store %arg7[%swap3A_335, %swap3A_336, %swap3A_337], %swap3A_340 {strides = array<i32>} : memref<3x8x4096xf32, #tpu.memory_space<vmem>>, vector<1x1x16xf32>,
        }
        %scan3A_324 = arith.constant 256 : i32
      } else {
      }
      %le3A_286 = arith.constant 7 : i32
      %le3A_287 = arith.cmpi sle, %min3A_234, %le3A_286 : i32
      %convert_element_type3A_288 = arith.extui %le3A_287 : i1 to i32
      %cond3A_289 = arith.constant 0 : i32
      %cond3A_290 = arith.cmpi ne, %convert_element_type3A_288, %cond3A_289 : i32
      scf.if %cond3A_290 {
        %scan3A_320 = arith.constant 0 : i32
        %scan3A_321 = arith.constant 256 : i32
        %scan3A_322 = arith.addi %scan3A_320, %scan3A_321 : i32
        %scan3A_323 = arith.constant 1 : i32
        scf.for %scan3A_325 = %scan3A_320 to %scan3A_322 step %scan3A_323  : i32 {
          %mul3A_326 = arith.constant 1 : i32
          %mul3A_327 = arith.muli %scan3A_325, %mul3A_326 : i32
          %add3A_328 = arith.constant 0 : i32
          %add3A_329 = arith.addi %add3A_328, %mul3A_327 : i32
          %broadcast_in_dim3A_330 = arith.constant 0.000000e+00 : f32
          %broadcast_in_dim3A_331 = vector.broadcast %broadcast_in_dim3A_330 : f32 to vector<16xf32>
          %mul3A_332 = arith.constant 16 : i32
          %mul3A_333 = arith.muli %add3A_329, %mul3A_332 : i32
          %swap3A = arith.constant 0 : i32
          %swap3A_334 = arith.constant 7 : i32
          %swap3A_335 = arith.index_cast %swap3A : i32 to index
          %swap3A_336 = arith.index_cast %swap3A_334 : i32 to index
          %swap3A_337 = arith.index_cast %mul3A_333 : i32 to index
          %swap3A_338 = tpu.vector_load %arg7[%swap3A_335, %swap3A_336, %swap3A_337] {strides = array<i32>} : memref<3x8x4096xf32, #tpu.memory_space<vmem>>, vector<1x1x16xf32>,
          %swap3A_339 = vector.shape_cast %swap3A_338 : vector<1x1x16xf32> to vector<16xf32>
          %swap3A_340 = vector.shape_cast %broadcast_in_dim3A_331 : vector<16xf32> to vector<1x1x16xf32>
          tpu.vector_store %arg7[%swap3A_335, %swap3A_336, %swap3A_337], %swap3A_340 {strides = array<i32>} : memref<3x8x4096xf32, #tpu.memory_space<vmem>>, vector<1x1x16xf32>,
        }
        %scan3A_324 = arith.constant 256 : i32
      } else {
      }
      %mul3A_291 = arith.constant 8 : i32
      %mul3A_292 = arith.muli %add3A_227, %mul3A_291 : i32
      %add3A_293 = arith.addi %mul3A_157, %mul3A_292 : i32
      %dma_start3A_294 = arith.constant 0 : i32
      %dma_start3A_295 = arith.constant 0 : i32
      %dma_start3A_296 = arith.constant 0 : i32
      %dma_start3A_297 = tpu.memref_slice %arg7[%dma_start3A_294, %dma_start3A_295, %dma_start3A_296] : memref<3x8x4096xf32, #tpu.memory_space<vmem>> -> memref<1x8x4096xf32, #tpu.memory_space<vmem>>
      %dma_start3A_298 = tpu.memref_squeeze %dma_start3A_297 : memref<1x8x4096xf32, #tpu.memory_space<vmem>> -> memref<8x4096xf32, #tpu.memory_space<vmem>>
      %dma_start3A_299 = arith.constant 0 : i32
      %dma_start3A_300 = tpu.memref_slice %arg4[%add3A_293, %dma_start3A_299] : memref<16384x4096xf32, #tpu.memory_space<hbm>> -> memref<8x4096xf32, #tpu.memory_space<hbm>>
      %dma_start3A_301 = arith.constant 0 : i32
      %dma_start3A_302 = tpu.memref_slice %arg4[%add3A_293, %dma_start3A_301] : memref<16384x4096xf32, #tpu.memory_space<hbm>> -> memref<8x4096xf32, #tpu.memory_space<hbm>>
      %dma_start3A_303 = arith.constant 0 : i32
      %dma_start3A_304 = arith.constant 0 : i32
      %dma_start3A_305 = tpu.memref_slice %arg7[%dma_start3A_294, %dma_start3A_303, %dma_start3A_304] : memref<3x8x4096xf32, #tpu.memory_space<vmem>> -> memref<1x8x4096xf32, #tpu.memory_space<vmem>>
      %dma_start3A_306 = tpu.memref_squeeze %dma_start3A_305 : memref<1x8x4096xf32, #tpu.memory_space<vmem>> -> memref<8x4096xf32, #tpu.memory_space<vmem>>
      tpu.enqueue_dma source(%dma_start3A_306 : memref<8x4096xf32, #tpu.memory_space<vmem>>) target(%dma_start3A_302 : memref<8x4096xf32, #tpu.memory_space<hbm>>) target_semaphore(%arg9 : memref<!tpu.dma_semaphore, #tpu.memory_space<semaphore_mem>>)
      %dma_wait3A_307 = arith.constant 0 : i32
      %dma_wait3A_308 = arith.constant 0 : i32
      %dma_wait3A_309 = arith.constant 0 : i32
      %dma_wait3A_310 = tpu.memref_slice %arg7[%dma_wait3A_307, %dma_wait3A_308, %dma_wait3A_309] : memref<3x8x4096xf32, #tpu.memory_space<vmem>> -> memref<1x8x4096xf32, #tpu.memory_space<vmem>>
      %dma_wait3A_311 = tpu.memref_squeeze %dma_wait3A_310 : memref<1x8x4096xf32, #tpu.memory_space<vmem>> -> memref<8x4096xf32, #tpu.memory_space<vmem>>
      %dma_wait3A_312 = arith.constant 0 : i32
      %dma_wait3A_313 = tpu.memref_slice %arg4[%add3A_293, %dma_wait3A_312] : memref<16384x4096xf32, #tpu.memory_space<hbm>> -> memref<8x4096xf32, #tpu.memory_space<hbm>>
      %dma_wait3A_314 = arith.constant 0 : i32
      %dma_wait3A_315 = tpu.memref_slice %arg4[%add3A_293, %dma_wait3A_314] : memref<16384x4096xf32, #tpu.memory_space<hbm>> -> memref<8x4096xf32, #tpu.memory_space<hbm>>
      %dma_wait3A_316 = arith.constant 0 : i32
      %dma_wait3A_317 = arith.constant 0 : i32
      %dma_wait3A_318 = tpu.memref_slice %arg7[%dma_wait3A_307, %dma_wait3A_316, %dma_wait3A_317] : memref<3x8x4096xf32, #tpu.memory_space<vmem>> -> memref<1x8x4096xf32, #tpu.memory_space<vmem>>
      %dma_wait3A_319 = tpu.memref_squeeze %dma_wait3A_318 : memref<1x8x4096xf32, #tpu.memory_space<vmem>> -> memref<8x4096xf32, #tpu.memory_space<vmem>>
      tpu.wait_dma2 semaphore(%arg9 : memref<!tpu.dma_semaphore, #tpu.memory_space<semaphore_mem>>) src(%dma_wait3A_319 : memref<8x4096xf32, #tpu.memory_space<vmem>>) dst(%dma_wait3A_315 : memref<8x4096xf32, #tpu.memory_space<hbm>>)
    }
    %while3A_224 = arith.constant 1 : i32
    scf.for %while3A_225 = %while3A_222 to %while3A_218 step %while3A_224  : i32 {
      %mul3A_226 = arith.muli %while3A_225, %while3A_215 : i32
      %add3A_227 = arith.addi %select_n3A_206, %mul3A_226 : i32
      %mul3A_228 = arith.constant 8 : i32
      %mul3A_229 = arith.muli %add3A_227, %mul3A_228 : i32
      %sub3A_230 = arith.subi %min3A, %mul3A_229 : i32
      %jit3A_231 = arith.constant 0 : i32
      %jit3A_232 = arith.constant 8 : i32
      %max3A_233 = arith.maxsi %jit3A_231, %sub3A_230 : i32
      %min3A_234 = arith.minsi %jit3A_232, %max3A_233 : i32
      %mul3A_235 = arith.constant 8 : i32
      %mul3A_236 = arith.muli %add3A_227, %mul3A_235 : i32
      %dma_start3A_237 = arith.constant 0 : i32
      %dma_start3A_238 = arith.constant 0 : i32
      %dma_start3A_239 = arith.constant 0 : i32
      %dma_start3A_240 = tpu.memref_slice %arg7[%dma_start3A_237, %dma_start3A_238, %dma_start3A_239] : memref<3x8x4096xf32, #tpu.memory_space<vmem>> -> memref<1x8x4096xf32, #tpu.memory_space<vmem>>
      %dma_start3A_241 = tpu.memref_squeeze %dma_start3A_240 : memref<1x8x4096xf32, #tpu.memory_space<vmem>> -> memref<8x4096xf32, #tpu.memory_space<vmem>>
      %dma_start3A_242 = tpu.memref_slice %arg6[%mul3A_236] : memref<512xi32, #tpu.memory_space<vmem>> -> memref<8xi32, #tpu.memory_space<vmem>>
      %dma_start3A_243 = arith.constant 0 : i32
      %dma_start3A_244 = arith.constant 0 : i32
      %dma_start3A_245 = tpu.memref_slice %arg2[%dma_start3A_243, %dma_start3A_244] : memref<16384x4096xf32, #tpu.memory_space<hbm>> -> memref<16384x4096xf32, #tpu.memory_space<hbm>>
      tpu.enqueue_indirect_dma source(%dma_start3A_245 : memref<16384x4096xf32, #tpu.memory_space<hbm>>) target(%dma_start3A_241 : memref<8x4096xf32, #tpu.memory_space<vmem>>) offsets(%dma_start3A_242 : memref<8xi32, #tpu.memory_space<vmem>>) semaphore(%arg8 : memref<!tpu.dma_semaphore, #tpu.memory_space<semaphore_mem>>)
      %dma_wait3A = arith.constant 0 : i32
      %dma_wait3A_246 = arith.constant 0 : i32
      %dma_wait3A_247 = arith.constant 0 : i32
      %dma_wait3A_248 = tpu.memref_slice %arg7[%dma_wait3A, %dma_wait3A_246, %dma_wait3A_247] : memref<3x8x4096xf32, #tpu.memory_space<vmem>> -> memref<1x8x4096xf32, #tpu.memory_space<vmem>>
      %dma_wait3A_249 = tpu.memref_squeeze %dma_wait3A_248 : memref<1x8x4096xf32, #tpu.memory_space<vmem>> -> memref<8x4096xf32, #tpu.memory_space<vmem>>
      %dma_wait3A_250 = tpu.memref_slice %arg6[%mul3A_236] : memref<512xi32, #tpu.memory_space<vmem>> -> memref<8xi32, #tpu.memory_space<vmem>>
      %dma_wait3A_251 = arith.constant 0 : i32
      %dma_wait3A_252 = arith.constant 0 : i32
      %dma_wait3A_253 = tpu.memref_slice %arg2[%dma_wait3A_251, %dma_wait3A_252] : memref<16384x4096xf32, #tpu.memory_space<hbm>> -> memref<16384x4096xf32, #tpu.memory_space<hbm>>
      tpu.wait_indirect_dma semaphore(%arg8 : memref<!tpu.dma_semaphore, #tpu.memory_space<semaphore_mem>>) src(%dma_wait3A_253 : memref<16384x4096xf32, #tpu.memory_space<hbm>>) dst(%dma_wait3A_249 : memref<8x4096xf32, #tpu.memory_space<vmem>>)
      %le3A = arith.constant 0 : i32
      %le3A_254 = arith.cmpi sle, %min3A_234, %le3A : i32
      %convert_element_type3A = arith.extui %le3A_254 : i1 to i32
      %cond3A = arith.constant 0 : i32
      %cond3A_255 = arith.cmpi ne, %convert_element_type3A, %cond3A : i32
      scf.if %cond3A_255 {
        %scan3A_320 = arith.constant 0 : i32
        %scan3A_321 = arith.constant 256 : i32
        %scan3A_322 = arith.addi %scan3A_320, %scan3A_321 : i32
        %scan3A_323 = arith.constant 1 : i32
        scf.for %scan3A_325 = %scan3A_320 to %scan3A_322 step %scan3A_323  : i32 {
          %mul3A_326 = arith.constant 1 : i32
          %mul3A_327 = arith.muli %scan3A_325, %mul3A_326 : i32
          %add3A_328 = arith.constant 0 : i32
          %add3A_329 = arith.addi %add3A_328, %mul3A_327 : i32
          %broadcast_in_dim3A_330 = arith.constant 0.000000e+00 : f32
          %broadcast_in_dim3A_331 = vector.broadcast %broadcast_in_dim3A_330 : f32 to vector<16xf32>
          %mul3A_332 = arith.constant 16 : i32
          %mul3A_333 = arith.muli %add3A_329, %mul3A_332 : i32
          %swap3A = arith.constant 0 : i32
          %swap3A_334 = arith.constant 0 : i32
          %swap3A_335 = arith.index_cast %swap3A : i32 to index
          %swap3A_336 = arith.index_cast %swap3A_334 : i32 to index
          %swap3A_337 = arith.index_cast %mul3A_333 : i32 to index
          %swap3A_338 = tpu.vector_load %arg7[%swap3A_335, %swap3A_336, %swap3A_337] {strides = array<i32>} : memref<3x8x4096xf32, #tpu.memory_space<vmem>>, vector<1x1x16xf32>,
          %swap3A_339 = vector.shape_cast %swap3A_338 : vector<1x1x16xf32> to vector<16xf32>
          %swap3A_340 = vector.shape_cast %broadcast_in_dim3A_331 : vector<16xf32> to vector<1x1x16xf32>
          tpu.vector_store %arg7[%swap3A_335, %swap3A_336, %swap3A_337], %swap3A_340 {strides = array<i32>} : memref<3x8x4096xf32, #tpu.memory_space<vmem>>, vector<1x1x16xf32>,
        }
        %scan3A_324 = arith.constant 256 : i32
      } else {
      }
      %le3A_256 = arith.constant 1 : i32
      %le3A_257 = arith.cmpi sle, %min3A_234, %le3A_256 : i32
      %convert_element_type3A_258 = arith.extui %le3A_257 : i1 to i32
      %cond3A_259 = arith.constant 0 : i32
      %cond3A_260 = arith.cmpi ne, %convert_element_type3A_258, %cond3A_259 : i32
      scf.if %cond3A_260 {
        %scan3A_320 = arith.constant 0 : i32
        %scan3A_321 = arith.constant 256 : i32
        %scan3A_322 = arith.addi %scan3A_320, %scan3A_321 : i32
        %scan3A_323 = arith.constant 1 : i32
        scf.for %scan3A_325 = %scan3A_320 to %scan3A_322 step %scan3A_323  : i32 {
          %mul3A_326 = arith.constant 1 : i32
          %mul3A_327 = arith.muli %scan3A_325, %mul3A_326 : i32
          %add3A_328 = arith.constant 0 : i32
          %add3A_329 = arith.addi %add3A_328, %mul3A_327 : i32
          %broadcast_in_dim3A_330 = arith.constant 0.000000e+00 : f32
          %broadcast_in_dim3A_331 = vector.broadcast %broadcast_in_dim3A_330 : f32 to vector<16xf32>
          %mul3A_332 = arith.constant 16 : i32
          %mul3A_333 = arith.muli %add3A_329, %mul3A_332 : i32
          %swap3A = arith.constant 0 : i32
          %swap3A_334 = arith.constant 1 : i32
          %swap3A_335 = arith.index_cast %swap3A : i32 to index
          %swap3A_336 = arith.index_cast %swap3A_334 : i32 to index
          %swap3A_337 = arith.index_cast %mul3A_333 : i32 to index
          %swap3A_338 = tpu.vector_load %arg7[%swap3A_335, %swap3A_336, %swap3A_337] {strides = array<i32>} : memref<3x8x4096xf32, #tpu.memory_space<vmem>>, vector<1x1x16xf32>,
          %swap3A_339 = vector.shape_cast %swap3A_338 : vector<1x1x16xf32> to vector<16xf32>
          %swap3A_340 = vector.shape_cast %broadcast_in_dim3A_331 : vector<16xf32> to vector<1x1x16xf32>
          tpu.vector_store %arg7[%swap3A_335, %swap3A_336, %swap3A_337], %swap3A_340 {strides = array<i32>} : memref<3x8x4096xf32, #tpu.memory_space<vmem>>, vector<1x1x16xf32>,
        }
        %scan3A_324 = arith.constant 256 : i32
      } else {
      }
      %le3A_261 = arith.constant 2 : i32
      %le3A_262 = arith.cmpi sle, %min3A_234, %le3A_261 : i32
      %convert_element_type3A_263 = arith.extui %le3A_262 : i1 to i32
      %cond3A_264 = arith.constant 0 : i32
      %cond3A_265 = arith.cmpi ne, %convert_element_type3A_263, %cond3A_264 : i32
      scf.if %cond3A_265 {
        %scan3A_320 = arith.constant 0 : i32
        %scan3A_321 = arith.constant 256 : i32
        %scan3A_322 = arith.addi %scan3A_320, %scan3A_321 : i32
        %scan3A_323 = arith.constant 1 : i32
        scf.for %scan3A_325 = %scan3A_320 to %scan3A_322 step %scan3A_323  : i32 {
          %mul3A_326 = arith.constant 1 : i32
          %mul3A_327 = arith.muli %scan3A_325, %mul3A_326 : i32
          %add3A_328 = arith.constant 0 : i32
          %add3A_329 = arith.addi %add3A_328, %mul3A_327 : i32
          %broadcast_in_dim3A_330 = arith.constant 0.000000e+00 : f32
          %broadcast_in_dim3A_331 = vector.broadcast %broadcast_in_dim3A_330 : f32 to vector<16xf32>
          %mul3A_332 = arith.constant 16 : i32
          %mul3A_333 = arith.muli %add3A_329, %mul3A_332 : i32
          %swap3A = arith.constant 0 : i32
          %swap3A_334 = arith.constant 2 : i32
          %swap3A_335 = arith.index_cast %swap3A : i32 to index
          %swap3A_336 = arith.index_cast %swap3A_334 : i32 to index
          %swap3A_337 = arith.index_cast %mul3A_333 : i32 to index
          %swap3A_338 = tpu.vector_load %arg7[%swap3A_335, %swap3A_336, %swap3A_337] {strides = array<i32>} : memref<3x8x4096xf32, #tpu.memory_space<vmem>>, vector<1x1x16xf32>,
          %swap3A_339 = vector.shape_cast %swap3A_338 : vector<1x1x16xf32> to vector<16xf32>
          %swap3A_340 = vector.shape_cast %broadcast_in_dim3A_331 : vector<16xf32> to vector<1x1x16xf32>
          tpu.vector_store %arg7[%swap3A_335, %swap3A_336, %swap3A_337], %swap3A_340 {strides = array<i32>} : memref<3x8x4096xf32, #tpu.memory_space<vmem>>, vector<1x1x16xf32>,
        }
        %scan3A_324 = arith.constant 256 : i32
      } else {
      }
      %le3A_266 = arith.constant 3 : i32
      %le3A_267 = arith.cmpi sle, %min3A_234, %le3A_266 : i32
      %convert_element_type3A_268 = arith.extui %le3A_267 : i1 to i32
      %cond3A_269 = arith.constant 0 : i32
      %cond3A_270 = arith.cmpi ne, %convert_element_type3A_268, %cond3A_269 : i32
      scf.if %cond3A_270 {
        %scan3A_320 = arith.constant 0 : i32
        %scan3A_321 = arith.constant 256 : i32
        %scan3A_322 = arith.addi %scan3A_320, %scan3A_321 : i32
        %scan3A_323 = arith.constant 1 : i32
        scf.for %scan3A_325 = %scan3A_320 to %scan3A_322 step %scan3A_323  : i32 {
          %mul3A_326 = arith.constant 1 : i32
          %mul3A_327 = arith.muli %scan3A_325, %mul3A_326 : i32
          %add3A_328 = arith.constant 0 : i32
          %add3A_329 = arith.addi %add3A_328, %mul3A_327 : i32
          %broadcast_in_dim3A_330 = arith.constant 0.000000e+00 : f32
          %broadcast_in_dim3A_331 = vector.broadcast %broadcast_in_dim3A_330 : f32 to vector<16xf32>
          %mul3A_332 = arith.constant 16 : i32
          %mul3A_333 = arith.muli %add3A_329, %mul3A_332 : i32
          %swap3A = arith.constant 0 : i32
          %swap3A_334 = arith.constant 3 : i32
          %swap3A_335 = arith.index_cast %swap3A : i32 to index
          %swap3A_336 = arith.index_cast %swap3A_334 : i32 to index
          %swap3A_337 = arith.index_cast %mul3A_333 : i32 to index
          %swap3A_338 = tpu.vector_load %arg7[%swap3A_335, %swap3A_336, %swap3A_337] {strides = array<i32>} : memref<3x8x4096xf32, #tpu.memory_space<vmem>>, vector<1x1x16xf32>,
          %swap3A_339 = vector.shape_cast %swap3A_338 : vector<1x1x16xf32> to vector<16xf32>
          %swap3A_340 = vector.shape_cast %broadcast_in_dim3A_331 : vector<16xf32> to vector<1x1x16xf32>
          tpu.vector_store %arg7[%swap3A_335, %swap3A_336, %swap3A_337], %swap3A_340 {strides = array<i32>} : memref<3x8x4096xf32, #tpu.memory_space<vmem>>, vector<1x1x16xf32>,
        }
        %scan3A_324 = arith.constant 256 : i32
      } else {
      }
      %le3A_271 = arith.constant 4 : i32
      %le3A_272 = arith.cmpi sle, %min3A_234, %le3A_271 : i32
      %convert_element_type3A_273 = arith.extui %le3A_272 : i1 to i32
      %cond3A_274 = arith.constant 0 : i32
      %cond3A_275 = arith.cmpi ne, %convert_element_type3A_273, %cond3A_274 : i32
      scf.if %cond3A_275 {
        %scan3A_320 = arith.constant 0 : i32
        %scan3A_321 = arith.constant 256 : i32
        %scan3A_322 = arith.addi %scan3A_320, %scan3A_321 : i32
        %scan3A_323 = arith.constant 1 : i32
        scf.for %scan3A_325 = %scan3A_320 to %scan3A_322 step %scan3A_323  : i32 {
          %mul3A_326 = arith.constant 1 : i32
          %mul3A_327 = arith.muli %scan3A_325, %mul3A_326 : i32
          %add3A_328 = arith.constant 0 : i32
          %add3A_329 = arith.addi %add3A_328, %mul3A_327 : i32
          %broadcast_in_dim3A_330 = arith.constant 0.000000e+00 : f32
          %broadcast_in_dim3A_331 = vector.broadcast %broadcast_in_dim3A_330 : f32 to vector<16xf32>
          %mul3A_332 = arith.constant 16 : i32
          %mul3A_333 = arith.muli %add3A_329, %mul3A_332 : i32
          %swap3A = arith.constant 0 : i32
          %swap3A_334 = arith.constant 4 : i32
          %swap3A_335 = arith.index_cast %swap3A : i32 to index
          %swap3A_336 = arith.index_cast %swap3A_334 : i32 to index
          %swap3A_337 = arith.index_cast %mul3A_333 : i32 to index
          %swap3A_338 = tpu.vector_load %arg7[%swap3A_335, %swap3A_336, %swap3A_337] {strides = array<i32>} : memref<3x8x4096xf32, #tpu.memory_space<vmem>>, vector<1x1x16xf32>,
          %swap3A_339 = vector.shape_cast %swap3A_338 : vector<1x1x16xf32> to vector<16xf32>
          %swap3A_340 = vector.shape_cast %broadcast_in_dim3A_331 : vector<16xf32> to vector<1x1x16xf32>
          tpu.vector_store %arg7[%swap3A_335, %swap3A_336, %swap3A_337], %swap3A_340 {strides = array<i32>} : memref<3x8x4096xf32, #tpu.memory_space<vmem>>, vector<1x1x16xf32>,
        }
        %scan3A_324 = arith.constant 256 : i32
      } else {
      }
      %le3A_276 = arith.constant 5 : i32
      %le3A_277 = arith.cmpi sle, %min3A_234, %le3A_276 : i32
      %convert_element_type3A_278 = arith.extui %le3A_277 : i1 to i32
      %cond3A_279 = arith.constant 0 : i32
      %cond3A_280 = arith.cmpi ne, %convert_element_type3A_278, %cond3A_279 : i32
      scf.if %cond3A_280 {
        %scan3A_320 = arith.constant 0 : i32
        %scan3A_321 = arith.constant 256 : i32
        %scan3A_322 = arith.addi %scan3A_320, %scan3A_321 : i32
        %scan3A_323 = arith.constant 1 : i32
        scf.for %scan3A_325 = %scan3A_320 to %scan3A_322 step %scan3A_323  : i32 {
          %mul3A_326 = arith.constant 1 : i32
          %mul3A_327 = arith.muli %scan3A_325, %mul3A_326 : i32
          %add3A_328 = arith.constant 0 : i32
          %add3A_329 = arith.addi %add3A_328, %mul3A_327 : i32
          %broadcast_in_dim3A_330 = arith.constant 0.000000e+00 : f32
          %broadcast_in_dim3A_331 = vector.broadcast %broadcast_in_dim3A_330 : f32 to vector<16xf32>
          %mul3A_332 = arith.constant 16 : i32
          %mul3A_333 = arith.muli %add3A_329, %mul3A_332 : i32
          %swap3A = arith.constant 0 : i32
          %swap3A_334 = arith.constant 5 : i32
          %swap3A_335 = arith.index_cast %swap3A : i32 to index
          %swap3A_336 = arith.index_cast %swap3A_334 : i32 to index
          %swap3A_337 = arith.index_cast %mul3A_333 : i32 to index
          %swap3A_338 = tpu.vector_load %arg7[%swap3A_335, %swap3A_336, %swap3A_337] {strides = array<i32>} : memref<3x8x4096xf32, #tpu.memory_space<vmem>>, vector<1x1x16xf32>,
          %swap3A_339 = vector.shape_cast %swap3A_338 : vector<1x1x16xf32> to vector<16xf32>
          %swap3A_340 = vector.shape_cast %broadcast_in_dim3A_331 : vector<16xf32> to vector<1x1x16xf32>
          tpu.vector_store %arg7[%swap3A_335, %swap3A_336, %swap3A_337], %swap3A_340 {strides = array<i32>} : memref<3x8x4096xf32, #tpu.memory_space<vmem>>, vector<1x1x16xf32>,
        }
        %scan3A_324 = arith.constant 256 : i32
      } else {
      }
      %le3A_281 = arith.constant 6 : i32
      %le3A_282 = arith.cmpi sle, %min3A_234, %le3A_281 : i32
      %convert_element_type3A_283 = arith.extui %le3A_282 : i1 to i32
      %cond3A_284 = arith.constant 0 : i32
      %cond3A_285 = arith.cmpi ne, %convert_element_type3A_283, %cond3A_284 : i32
      scf.if %cond3A_285 {
        %scan3A_320 = arith.constant 0 : i32
        %scan3A_321 = arith.constant 256 : i32
        %scan3A_322 = arith.addi %scan3A_320, %scan3A_321 : i32
        %scan3A_323 = arith.constant 1 : i32
        scf.for %scan3A_325 = %scan3A_320 to %scan3A_322 step %scan3A_323  : i32 {
          %mul3A_326 = arith.constant 1 : i32
          %mul3A_327 = arith.muli %scan3A_325, %mul3A_326 : i32
          %add3A_328 = arith.constant 0 : i32
          %add3A_329 = arith.addi %add3A_328, %mul3A_327 : i32
          %broadcast_in_dim3A_330 = arith.constant 0.000000e+00 : f32
          %broadcast_in_dim3A_331 = vector.broadcast %broadcast_in_dim3A_330 : f32 to vector<16xf32>
          %mul3A_332 = arith.constant 16 : i32
          %mul3A_333 = arith.muli %add3A_329, %mul3A_332 : i32
          %swap3A = arith.constant 0 : i32
          %swap3A_334 = arith.constant 6 : i32
          %swap3A_335 = arith.index_cast %swap3A : i32 to index
          %swap3A_336 = arith.index_cast %swap3A_334 : i32 to index
          %swap3A_337 = arith.index_cast %mul3A_333 : i32 to index
          %swap3A_338 = tpu.vector_load %arg7[%swap3A_335, %swap3A_336, %swap3A_337] {strides = array<i32>} : memref<3x8x4096xf32, #tpu.memory_space<vmem>>, vector<1x1x16xf32>,
          %swap3A_339 = vector.shape_cast %swap3A_338 : vector<1x1x16xf32> to vector<16xf32>
          %swap3A_340 = vector.shape_cast %broadcast_in_dim3A_331 : vector<16xf32> to vector<1x1x16xf32>
          tpu.vector_store %arg7[%swap3A_335, %swap3A_336, %swap3A_337], %swap3A_340 {strides = array<i32>} : memref<3x8x4096xf32, #tpu.memory_space<vmem>>, vector<1x1x16xf32>,
        }
        %scan3A_324 = arith.constant 256 : i32
      } else {
      }
      %le3A_286 = arith.constant 7 : i32
      %le3A_287 = arith.cmpi sle, %min3A_234, %le3A_286 : i32
      %convert_element_type3A_288 = arith.extui %le3A_287 : i1 to i32
      %cond3A_289 = arith.constant 0 : i32
      %cond3A_290 = arith.cmpi ne, %convert_element_type3A_288, %cond3A_289 : i32
      scf.if %cond3A_290 {
        %scan3A_320 = arith.constant 0 : i32
        %scan3A_321 = arith.constant 256 : i32
        %scan3A_322 = arith.addi %scan3A_320, %scan3A_321 : i32
        %scan3A_323 = arith.constant 1 : i32
        scf.for %scan3A_325 = %scan3A_320 to %scan3A_322 step %scan3A_323  : i32 {
          %mul3A_326 = arith.constant 1 : i32
          %mul3A_327 = arith.muli %scan3A_325, %mul3A_326 : i32
          %add3A_328 = arith.constant 0 : i32
          %add3A_329 = arith.addi %add3A_328, %mul3A_327 : i32
          %broadcast_in_dim3A_330 = arith.constant 0.000000e+00 : f32
          %broadcast_in_dim3A_331 = vector.broadcast %broadcast_in_dim3A_330 : f32 to vector<16xf32>
          %mul3A_332 = arith.constant 16 : i32
          %mul3A_333 = arith.muli %add3A_329, %mul3A_332 : i32
          %swap3A = arith.constant 0 : i32
          %swap3A_334 = arith.constant 7 : i32
          %swap3A_335 = arith.index_cast %swap3A : i32 to index
          %swap3A_336 = arith.index_cast %swap3A_334 : i32 to index
          %swap3A_337 = arith.index_cast %mul3A_333 : i32 to index
          %swap3A_338 = tpu.vector_load %arg7[%swap3A_335, %swap3A_336, %swap3A_337] {strides = array<i32>} : memref<3x8x4096xf32, #tpu.memory_space<vmem>>, vector<1x1x16xf32>,
          %swap3A_339 = vector.shape_cast %swap3A_338 : vector<1x1x16xf32> to vector<16xf32>
          %swap3A_340 = vector.shape_cast %broadcast_in_dim3A_331 : vector<16xf32> to vector<1x1x16xf32>
          tpu.vector_store %arg7[%swap3A_335, %swap3A_336, %swap3A_337], %swap3A_340 {strides = array<i32>} : memref<3x8x4096xf32, #tpu.memory_space<vmem>>, vector<1x1x16xf32>,
        }
        %scan3A_324 = arith.constant 256 : i32
      } else {
      }
      %mul3A_291 = arith.constant 8 : i32
      %mul3A_292 = arith.muli %add3A_227, %mul3A_291 : i32
      %add3A_293 = arith.addi %mul3A_157, %mul3A_292 : i32
      %dma_start3A_294 = arith.constant 0 : i32
      %dma_start3A_295 = arith.constant 0 : i32
      %dma_start3A_296 = arith.constant 0 : i32
      %dma_start3A_297 = tpu.memref_slice %arg7[%dma_start3A_294, %dma_start3A_295, %dma_start3A_296] : memref<3x8x4096xf32, #tpu.memory_space<vmem>> -> memref<1x8x4096xf32, #tpu.memory_space<vmem>>
      %dma_start3A_298 = tpu.memref_squeeze %dma_start3A_297 : memref<1x8x4096xf32, #tpu.memory_space<vmem>> -> memref<8x4096xf32, #tpu.memory_space<vmem>>
      %dma_start3A_299 = arith.constant 0 : i32
      %dma_start3A_300 = tpu.memref_slice %arg4[%add3A_293, %dma_start3A_299] : memref<16384x4096xf32, #tpu.memory_space<hbm>> -> memref<8x4096xf32, #tpu.memory_space<hbm>>
      %dma_start3A_301 = arith.constant 0 : i32
      %dma_start3A_302 = tpu.memref_slice %arg4[%add3A_293, %dma_start3A_301] : memref<16384x4096xf32, #tpu.memory_space<hbm>> -> memref<8x4096xf32, #tpu.memory_space<hbm>>
      %dma_start3A_303 = arith.constant 0 : i32
      %dma_start3A_304 = arith.constant 0 : i32
      %dma_start3A_305 = tpu.memref_slice %arg7[%dma_start3A_294, %dma_start3A_303, %dma_start3A_304] : memref<3x8x4096xf32, #tpu.memory_space<vmem>> -> memref<1x8x4096xf32, #tpu.memory_space<vmem>>
      %dma_start3A_306 = tpu.memref_squeeze %dma_start3A_305 : memref<1x8x4096xf32, #tpu.memory_space<vmem>> -> memref<8x4096xf32, #tpu.memory_space<vmem>>
      tpu.enqueue_dma source(%dma_start3A_306 : memref<8x4096xf32, #tpu.memory_space<vmem>>) target(%dma_start3A_302 : memref<8x4096xf32, #tpu.memory_space<hbm>>) target_semaphore(%arg9 : memref<!tpu.dma_semaphore, #tpu.memory_space<semaphore_mem>>)
      %dma_wait3A_307 = arith.constant 0 : i32
      %dma_wait3A_308 = arith.constant 0 : i32
      %dma_wait3A_309 = arith.constant 0 : i32
      %dma_wait3A_310 = tpu.memref_slice %arg7[%dma_wait3A_307, %dma_wait3A_308, %dma_wait3A_309] : memref<3x8x4096xf32, #tpu.memory_space<vmem>> -> memref<1x8x4096xf32, #tpu.memory_space<vmem>>
      %dma_wait3A_311 = tpu.memref_squeeze %dma_wait3A_310 : memref<1x8x4096xf32, #tpu.memory_space<vmem>> -> memref<8x4096xf32, #tpu.memory_space<vmem>>
      %dma_wait3A_312 = arith.constant 0 : i32
      %dma_wait3A_313 = tpu.memref_slice %arg4[%add3A_293, %dma_wait3A_312] : memref<16384x4096xf32, #tpu.memory_space<hbm>> -> memref<8x4096xf32, #tpu.memory_space<hbm>>
      %dma_wait3A_314 = arith.constant 0 : i32
      %dma_wait3A_315 = tpu.memref_slice %arg4[%add3A_293, %dma_wait3A_314] : memref<16384x4096xf32, #tpu.memory_space<hbm>> -> memref<8x4096xf32, #tpu.memory_space<hbm>>
      %dma_wait3A_316 = arith.constant 0 : i32
      %dma_wait3A_317 = arith.constant 0 : i32
      %dma_wait3A_318 = tpu.memref_slice %arg7[%dma_wait3A_307, %dma_wait3A_316, %dma_wait3A_317] : memref<3x8x4096xf32, #tpu.memory_space<vmem>> -> memref<1x8x4096xf32, #tpu.memory_space<vmem>>
      %dma_wait3A_319 = tpu.memref_squeeze %dma_wait3A_318 : memref<1x8x4096xf32, #tpu.memory_space<vmem>> -> memref<8x4096xf32, #tpu.memory_space<vmem>>
      tpu.wait_dma2 semaphore(%arg9 : memref<!tpu.dma_semaphore, #tpu.memory_space<semaphore_mem>>) src(%dma_wait3A_319 : memref<8x4096xf32, #tpu.memory_space<vmem>>) dst(%dma_wait3A_315 : memref<8x4096xf32, #tpu.memory_space<hbm>>)
    }
    return
  }
}

</mosaic_0001>

<sc_bundles>
// kernel: kernel.3.cloned.1.call-start
scs
__scs_entry_jumppad:
0x0: {  	(pc) =	sbr.rel $0x88, $3  }
0x1: {  	(tag) =	ssettag $0x0;
	lr =	simm.s32 $0x1  }
0x2: {  	[smem:$0x3F9F] =	sst lr;
	_ =	strace $0xD0000000  }
0x3: {  	_ = 	snop  }
0x4: {  	_ = 	snop  }
0x5: {  	_ = 	snop  }
0x6: {  	_ = 	snop  }
0x7: {  	_ = 	snop  }
__scs_overlays_trampoline_lowered:
0x8: {  	[smem:$0x3FAE] =	sst s0  }
0x9: {  	[smem:$0x3FAF] =	sst s1  }
0xa: {  	[smem:$0x3FB0] =	sst s2  }
0xb: {  	[smem:$0x3FB1] =	sst s3  }
0xc: {  	[smem:$0x3FB2] =	sst s4  }
0xd: {  	[smem:$0x3FB3] =	sst s5  }
0xe: {  	[smem:$0x3FB4] =	sst s6  }
0xf: {  	[smem:$0x3FB5] =	sst s7  }
0x10: {  	[smem:$0x3FB6] =	sst s8  }
0x11: {  	[smem:$0x3FB7] =	sst s9;
	s0 =	simm.s32 @!p0 $0x0  }
0x12: {  	s1 =	sld [smem:$0x3F9D];
	s0 =	simm.s32 @p0 $0x1  }
0x13: {  	[smem:$0x3FB8] =	sst s0;
	s0 =	simm.s32 @!p1 $0x0  }
0x14: {  	s2 =	sld [smem:$0x3F9C];
	s0 =	simm.s32 @p1 $0x1  }
0x15: {  	[smem:$0x3FB9] =	sst s0;
	s0 =	simm.s32 @!p2 $0x0  }
0x16: {  	s3 =	sld [smem:$0x3FDB];
	s0 =	simm.s32 @p2 $0x1  }
0x17: {  	s4 =	simm.s32 $0x1BF5;
	[smem:$0x3FBB] =	sst s0  }
0x18: {  	s0 =	sld [smem:$0x3F9E];
	_ =	swait.ge [sflag:s4], $0x0  }
0x19: {  	s7 =	sld [smem:$0x3F9F]  }
0x1a: {  	s8 =	sadd.s32 $0xFFFFE003, lr  }
0x1b: {  	s9 =	sadd.s32 $0xFFFFFEF7, lr;
	s5 =	simm.s32 $0xFFFFFFFF;
	p2 =	slt.u32 s8, $0xFFFFF086  }
0x1c: {  	p1 =	slt.u32 s9, $0xF7A;
	s5 =	simm.s32 @!p2 $0x0  }
0x1d: {  	s5 =	simm.s32 @p1 $0x1;
	p0 =	seq.s32 s7, s2  }
0x1e: {  	s7 =	smul.u32 @!p0 $0xF7A, s2;
	p2 =	seq.s32 @!p0 s5, $0x0  }
0x1f: {  	s9 =	smul.u32 $0xF7A, s1;
	s8 =	simm.s32 @!p0 $0x1BF5;
	p2 =	por !p2, p0  }
0x20: {  	[sflag:s8] =	ssyncset.s32 @!p0 $0xFFFFF086;
	s6 =	sadd.s32 @!p0 s3, s7;
	s7 =	simm.s32 @!p0 $0x108  }
0x21: {  	s3 =	sadd.s32 s3, s9;
	s6 =	sadd.s32 @!p0 $0x88, s6;
	s7 =	simm.s32 @p2 $0x1082  }
0x22: {  	[simem:s7], [sflag:s8] =	dma.local @!p0 [hbm:s6], $0xF7A  }
0x23: {  	s9 =	sor.u32 $0xD0000000, s2;
	s6 =	simm.s32 $0x108;
	_ =	swait.ge @!p0 [sflag:s8], $0x0  }
0x24: {  	s3 =	sadd.s32 $0x88, s3;
	s6 =	simm.s32 @!p1 $0x1082;
	[sflag:s4] =	ssyncset.s32 $0xFFFFF086  }
0x25: {  	[simem:s6], [sflag:s4] =	dma.local [hbm:s3], $0xF7A  }
0x26: {  	[smem:$0x3F9F] =	sst s1;
	(tag) =	ssettag s2;
	_ =	strace s9  }
0x27: {  	s1 =	sld [smem:$0x3FAF]  }
0x28: {  	s2 =	sld [smem:$0x3FB0]  }
0x29: {  	s4 =	sld [smem:$0x3FB2]  }
0x2a: {  	p0 =	seq.s32 s5, $0x0;
	s5 =	sld [smem:$0x3FB3]  }
0x2b: {  	s6 =	sld [smem:$0x3FB4]  }
0x2c: {  	s7 =	sld [smem:$0x3FB5]  }
0x2d: {  	s3 =	simm.s32 $0x108;
	s8 =	sld [smem:$0x3FB6]  }
0x2e: {  	s3 =	simm.s32 @!p0 $0x1082;
	s9 =	sld [smem:$0x3FB7]  }
0x2f: {  	lr =	sadd.s32 s0, s3;
	s0 =	sld [smem:$0x3FAE]  }
0x30: {  	s3 =	sld [smem:$0x3FB1]  }
0x31: {  	[smem:$0x3FBA] =	sst s10  }
0x32: {  	s10 =	sld [smem:$0x3FB8];
	_ =	sdelay $0x3  }
0x33: {  	p0 =	seq.s32 s10, $0x1;
	s10 =	sld [smem:$0x3FBA];
	_ =	sdelay $0x3  }
0x34: {  	[smem:$0x3FBA] =	sst s10  }
0x35: {  	s10 =	sld [smem:$0x3FB9];
	_ =	sdelay $0x3  }
0x36: {  	p1 =	seq.s32 s10, $0x1;
	s10 =	sld [smem:$0x3FBA];
	_ =	sdelay $0x3  }
0x37: {  	[smem:$0x3FBA] =	sst s10  }
0x38: {  	s10 =	sld [smem:$0x3FBB]  }
0x39: {  	_ = 	snop;
	(pc) =	sbr.ind lr, $3  }
0x3a: {  	_ = 	snop  }
0x3b: {  	_ = 	snop  }
0x3c: {  	p2 =	seq.s32 s10, $0x1;
	s10 =	sld [smem:$0x3FBA]  }
0x3d: {  	_ =	shalt  }
0x3e: {  	_ =	shalt  }
0x3f: {  	_ =	shalt  }
0x40: {  	_ =	shalt  }
0x41: {  	_ =	shalt  }
0x42: {  	_ =	shalt  }
0x43: {  	_ =	shalt  }
0x44: {  	_ =	shalt  }
0x45: {  	_ =	shalt  }
0x46: {  	_ =	shalt  }
0x47: {  	_ =	shalt  }
0x48: {  	_ =	shalt  }
0x49: {  	_ =	shalt  }
0x4a: {  	_ =	shalt  }
0x4b: {  	_ =	shalt  }
0x4c: {  	_ =	shalt  }
0x4d: {  	_ =	shalt  }
0x4e: {  	_ =	shalt  }
0x4f: {  	_ =	shalt  }
0x50: {  	_ =	shalt  }
0x51: {  	_ =	shalt  }
0x52: {  	_ =	shalt  }
0x53: {  	_ =	shalt  }
0x54: {  	_ =	shalt  }
0x55: {  	_ =	shalt  }
0x56: {  	_ =	shalt  }
0x57: {  	_ =	shalt  }
0x58: {  	_ =	shalt  }
0x59: {  	_ =	shalt  }
0x5a: {  	_ =	shalt  }
0x5b: {  	_ =	shalt  }
0x5c: {  	_ =	shalt  }
0x5d: {  	_ =	shalt  }
0x5e: {  	_ =	shalt  }
0x5f: {  	_ =	shalt  }
0x60: {  	_ =	shalt  }
0x61: {  	_ =	shalt  }
0x62: {  	_ =	shalt  }
0x63: {  	_ =	shalt  }
0x64: {  	_ =	shalt  }
0x65: {  	_ =	shalt  }
0x66: {  	_ =	shalt  }
0x67: {  	_ =	shalt  }
0x68: {  	_ =	shalt  }
0x69: {  	_ =	shalt  }
0x6a: {  	_ =	shalt  }
0x6b: {  	_ =	shalt  }
0x6c: {  	_ =	shalt  }
0x6d: {  	_ =	shalt  }
0x6e: {  	_ =	shalt  }
0x6f: {  	_ =	shalt  }
0x70: {  	_ =	shalt  }
0x71: {  	_ =	shalt  }
0x72: {  	_ =	shalt  }
0x73: {  	_ =	shalt  }
0x74: {  	_ =	shalt  }
0x75: {  	_ =	shalt  }
0x76: {  	_ =	shalt  }
0x77: {  	_ =	shalt  }
0x78: {  	_ =	shalt  }
0x79: {  	_ =	shalt  }
0x7a: {  	_ =	shalt  }
0x7b: {  	_ =	shalt  }
0x7c: {  	_ =	shalt  }
0x7d: {  	_ =	shalt  }
0x7e: {  	_ =	shalt  }
0x7f: {  	_ =	shalt  }
0x80: {  	_ =	shalt  }
0x81: {  	_ =	shalt  }
0x82: {  	_ =	shalt  }
0x83: {  	_ =	shalt  }
0x84: {  	_ =	shalt  }
0x85: {  	_ =	shalt  }
0x86: {  	_ =	shalt  }
0x87: {  	_ =	shalt  }
.Lfunc_end0:
.L_simem_size_0:
called_computation_lowered:
.L_overlay_start_0:
0x88: {  	s2 =	sld [smem:$0x3FD9]  }
0x89: {  	s3 =	sld [smem:$0x3FFE];
	_ =	sdelay $0x1  }
0x8a: {  	s1 =	srdreg.scid  }
0x8b: {  	s0 =	sand.u32 $0x1, s1  }
0x8c: {  	s17 =	sshll.u32 s0, $0xA;
	s2 =	sadd.s32 s3, s2  }
0x8d: {  	s2 =	sadd.s32 s2, s17  }
0x8e: {  	[smem:$0x3FC6] =	sst s2  }
0x8f: {  	_ = 	snop  }
0x90: {  	s2 =	sld [smem:$0x3FC9]  }
0x91: {  	s18 =	sld [smem:$0x3FD0];
	(tm) =	ssettm $0x1  }
0x92: {  	s4 =	sld [smem:$0x3FFB];
	_ =	sdelay $0x3  }
0x93: {  	_ =	strace s4  }
0x94: {  	s4 =	sld [smem:$0x3FFC];
	_ =	sdelay $0x3  }
0x95: {  	_ =	strace s4  }
0x96: {  	s4 =	sld [smem:$0x3FFD];
	_ =	sdelay $0x3  }
0x97: {  	_ =	strace s4  }
0x98: {  	_ =	strace $0x8FFFFFFF  }
0x99: {  	s19 =	sld [smem:$0x3FDB];
	_ =	sdelay $0x1  }
0x9a: {  	s5 =	simm.s32 $_scs_section_size  }
0x9b: {  	s6 =	simm.s32 $_size__tile_overlayer_lowered;
	s7 =	simm.s32 $_tile_overlayer_lowered  }
0x9c: {  	s22 =	simm.s32 $0x1BFF;
	s21 =	sshll.u32 s7, $0x1;
	s4 =	sadd.s32 s5, s19  }
0x9d: {  	s8 =	simm.s32 $0x0;
	s20 =	sshll.u32 s6, $0x1;
	s6 =	sadd.s32 s21, s4  }
0x9e: {  	[timem:s8], [sflag:s22] =	dma.local [hbm:s6], s20  }
0x9f: {  	_ =	swait.ge [sflag:s22], s20  }
0xa0: {  	s5 =	ssub.s32 $0x0, s20;
	[sflag:s22] =	ssyncset.done $0x0  }
0xa1: {  	[sflag:s22] =	ssyncadd.s32 s5;
	_ =	sdelay $0x1  }
0xa2: {  	s23 =	simm.s32 $0x1B8B  }
0xa3: {  	_ =	swait.ge [sflag:s23], $0x1  }
0xa4: {  	[sflag:s23] =	ssyncset.done $0x0  }
0xa5: {  	s25 =	simm.s32 $0x1B8E;
	s24 =	sld [smem:$0x3FFE];
	[sflag:s23] =	ssyncadd.s32 $0xFFFFFFFF  }
0xa6: {  	s26 =	simm.s32 $execute0_lowered;
	[smem:$0x3FD2] =	sst s25  }
0xa7: {  	s6 =	sshll.u32 s26, $0x1;
	_ =	strace $0x80000046;
	[dreg:$0x1] =	wrdreg $0xFFFFFFFF  }
0xa8: {  	s28 =	simm.s32 $_size_execute0_lowered;
	s4 =	sadd.s32 s4, s6;
	[dreg:$0x0] =	wrdreg $0x0  }
0xa9: {  	s6 =	sshll.u32 s28, $0x1;
	[dreg:$0x2] =	wrdreg s4  }
0xaa: {  	[dreg:$0x3] =	wrdreg s6  }
0xab: {  	[dreg:$0x4] =	wrdreg $0xC0  }
0xac: {  	_ =	task [dreg:s8], $0x5FFFF  }
0xad: {  	[dreg:$0x1] =	wrdreg $0xFFFFFFFF  }
0xae: {  	[dreg:$0x0] =	wrdreg $0x60  }
0xaf: {  	[dreg:$0x2] =	wrdreg s2  }
0xb0: {  	[dreg:$0x3] =	wrdreg s24  }
0xb1: {  	[dreg:$0x4] =	wrdreg s18  }
0xb2: {  	[dreg:$0x5] =	wrdreg $0x9  }
0xb3: {  	_ =	task.clear_ibuf [dreg:s8], $0x6FFFF;
	_ =	strace $0x90000046  }
0xb4: {  	s29 =	simm.s32 $0x9;
	_ =	strace $0x80000048  }
0xb5: {  	_ =	swait.ge [sflag:s29], $0x1  }
0xb6: {  	[sflag:s29] =	ssyncadd.s32 $0xFFFFFFFF  }
0xb7: {  	_ =	strace $0x90000048  }
0xb8: {  	_ =	sfence  }
0xb9: {  	s30 =	sld [smem:$0x0];
	_ =	sdelay $0x2  }
0xba: {  	s31 =	sshll.u32 s1, $0xD;
	s1 =	sshrl.u32 s1, $0x2  }
0xbb: {  	s3 =	sand.u32 $0x4000, s31;
	s1 =	sadd.s32 s1, s30  }
0xbc: {  	s0 =	sor.u32 s3, s0;
	s1 =	sshll.u32 s1, $0x11  }
0xbd: {  	s0 =	sor.u32 s1, s0  }
0xbe: {  	s0 =	sadd.s32 $0x8F2B, s0  }
0xbf: {  	[sflag:s0] =	ssyncadd.remote.s32 $0x1  }
0xc0: {  	_ =	sfence.sel $0xFFFF  }
0xc1: {  	[dreg:$0x0] =	wrdreg $0xFFFFFFFF;
	(pc) =	sbr.abs _section_cstart, $3  }
0xc2: {  	[dreg:$0x1] =	wrdreg $0xFFFFFFFF  }
0xc3: {  	_ =	task.clear_ibuf [dreg:s8], $0x2FFFF;
	_ =	strace $0x9FFFFFFF  }
0xc4: {  	(tm) =	ssettm $0x7FFFFFFF  }
0xc5: {  	_ =	shalt  }
tec
execute0_lowered:
.L_overlay_start_1:
0x0: {  	(tag) =	ssettag $0x1  }
0x1: {  	s3 =	rddreg [dreg:$0x0]  }
0x2: {  	s0 =	rddreg [dreg:$0x1]  }
0x3: {  	s2 =	rddreg [dreg:$0x2]  }
0x4: {  	s4 =	srdreg.scid;
	s1 =	stileid.u32;
	s8 =	simm.s32 $0x0  }
0x5: {  	s7 =	simm.s32 $0x1;
	s18 =	simm.s32 $0xFFFFFFFF;
	s4 =	sand.u32 $0x1, s4  }
0x6: {  	s5 =	sshll.u32 s1, $0x1;
	[smem:$0x7FF] =	sst s8;
	s0 =	sadd.s32 $0x400, s0  }
0x7: {  	s17 =	sadd.s32 $0x200, s3;
	s26 =	sadd.s32 $0x300, s3;
	s21 =	sadd.s32 $0x400, s3  }
0x8: {  	s22 =	sadd.s32 $0x500, s3;
	s9 =	sadd.s32 $0x600, s3;
	s10 =	sadd.s32 $0x700, s3  }
0x9: {  	s11 =	sadd.s32 $0x800, s3;
	s12 =	sadd.s32 $0x900, s3;
	s13 =	sadd.s32 $0xA00, s3  }
0xa: {  	s14 =	sadd.s32 $0xB00, s3;
	s19 =	sshll.u32 s1, $0xC;
	s28 =	sshll.u32 s1, $0x13  }
0xb: {  	s16 =	sadd.s32 $0xD00, s3;
	s6 =	sor.u32 s4, s5;
	_ =	strace $0x80000047  }
0xc: {  	p1 =	seq.s32 s4, $0x1;
	[dreg:$0xd] =	wrdreg s0;
	s23 =	ssub.s32 $0x2, s4  }
0xd: {  	s5 =	simm.s32 $0x1;
	s25 =	sshll.u32 s4, $0x9;
	[dreg:$0x5] =	wrdreg s13  }
0xe: {  	[dreg:$0x4] =	wrdreg s14;
	s4 =	sshll.u32 s4, $0x12;
	s13 =	sadd.s32 $0xE00, s3  }
0xf: {  	s14 =	simm.s32 $0x4200;
	p0 =	seq.s32 s6, $0x0;
	s24 =	sshrl.u32 s23, $0x1  }
0x10: {  	[dreg:$0xe] =	wrdreg s25;
	s6 =	sshll.u32 s6, $0x12;
	s25 =	sadd.s32 $0xF00, s3  }
0x11: {  	p0 =	por !p0, !p1;
	s0 =	ssub.s32 s23, s24;
	s24 =	sadd.s32 $0x100, s3  }
0x12: {  	s15 =	sadd.s32 s2, s6;
	s2 =	sadd.s32 s28, s2;
	p0 =	por !p0, !p0  }
0x13: {  	s29 =	sadd.s32 s4, s2;
	s0 =	smax.u32 s0, $0x1;
	s7 =	simm.s32 @!p0 $0x0  }
0x14: {  	[dreg:$0xf] =	wrdreg s15;
	s18 =	simm.s32 @!p0 $0x0;
	s20 =	ssub.s32 s1, s7  }
.Ltmp0:
0x15: {  	[dreg:$0x10] =	wrdreg s29;
	s23 =	sshll.u32 s20, $0x6;
	(pc) =	sbr.rel .LBB2_1-.Ltmp0, $4  }
0x16: {  	[dreg:$0x11] =	wrdreg s0;
	s18 =	sshll.u32 s18, $0xC;
	p0 =	sgt.s32 s23, $0x1  }
0x17: {  	v0 =	vlaneseq.u32;
	s7 =	sadd.s32 $0xC00, s3;
	s18 =	sadd.s32 s18, s19;
	s23 =	simm.s32 @!p0 $0x1  }
0x18: {  	vm0 =	vmmov $0xffff;
	v4 =	vimm.f32 $0.0e+00;
	v3 =	vshrl.u32 v0, $0x3;
	s1 =	simm.s32 $0x0;
	s31 =	sshra.s32 s18, $0x2;
	s30 =	ssub.s32 $0x0, s23  }
0x19: {  	v2 =	vand.u32 $0x7, v0;
	v3 =	vmul.u32 $0x8, v3;
	s19 =	smov.u32 s26;
	p0 =	slt.s32 s20, $0x1;
	v1 =	vmov s31;
	[dreg:$0x12] =	wrdreg s30  }
.LBB2_38:
0x1a: {  	s1 =	rddreg [dreg:$0x13]  }
0x1b: {  	s0 =	rddreg [dreg:$0x11];
	s1 =	sadd.s32 $0x1, s1  }
0x1c: {  	p1 =	sne.s32 s1, s0  }
.Ltmp1:
0x1d: {  	_ = 	snop;
	(pc) =	sbr.rel @!p1 .LBB2_39-.Ltmp1, $1  }
0x1e: {  	_ =	sdelay $0x3  }
.LBB2_1:
.Ltmp2:
0x1f: {  	s0 =	rddreg [dreg:$0xd];
	s31 =	simm.s32 $0x3;
	(pc) =	sbr.rel @p0 .LBB2_5-.Ltmp2, $4  }
0x20: {  	[tilespmem:s8], [sflag:$0x3] =	stream.linear.gather [hbm4b:s0+s8], $0x4000, $0x38;
	[tilespmem:$0x1C200] =	vst v63  }
0x21: {  	_ =	swait.ge [sflag:s31], $0x4000  }
0x22: {  	[sflag:s31] =	ssyncset.done $0x0  }
0x23: {  	v5 =	vimm.s32 $0x0;
	v6 =	vimm.s32 $0x0;
	[sflag:s31] =	ssyncadd.s32 $0xFFFFC000  }
0x24: {  	s0 =	rddreg [dreg:$0x12]  }
0x25: {  	s0 =	sadd.s32 $0x1, s0  }
0x26: {  	p1 =	seq.s32 s0, $0x0  }
.Ltmp3:
0x27: {  	_ = 	snop;
	(pc) =	sbr.rel @p1 .LBB2_4-.Ltmp3, $2  }
0x28: {  	_ =	sdelay $0x2  }
0x29: {  	v7 =	vld [tilespmem:s8+$0x0];
	v6 =	vimm.s32 $0x0;
	s4 =	simm.s32 $0x0  }
.LBB2_3:
0x2a: {  	s0 =	sadd.s32 $0x1, s0  }
0x2b: {  	p1 =	seq.s32 s0, $0x0  }
.Ltmp4:
0x2c: {  	_ = 	snop;
	(pc) =	sbr.rel @!p1 .LBB2_3-.Ltmp4, $3  }
0x2d: {  	_ =	sdelay $0x1  }
0x2e: {  	s4 =	sadd.s32 $0x10, s4;
	v6 =	vadd.s32 v6, v7  }
0x2f: {  	v7 =	vld [tilespmem:s4+$0x0]  }
.LBB2_4:
0x30: {  	_ =	sdelay $0x3  }
0x31: {  	v6 =	vadd.s32 v6, v7  }
.LBB2_5:
0x32: {  	_ =	sdelay $0x2  }
0x33: {  	s4 =	simm.s32 $0x0  }
0x34: {  	[dreg:$0x13] =	wrdreg s1;
	s0 =	simm.s32 $0x40;
	v7 =	vld.idx.msk [tilespmem:v1+s4+$0x0 ss:$0x1], $0xffff  }
.LBB2_6:
0x35: {  	p1 =	sne.s32 s0, $0xFC0  }
.Ltmp5:
0x36: {  	_ = 	snop;
	(pc) =	sbr.rel @p1 .LBB2_6-.Ltmp5, $3  }
0x37: {  	_ =	sdelay $0x1  }
0x38: {  	s4 =	sshra.s32 s0, $0x2;
	s0 =	sadd.s32 $0x40, s0  }
0x39: {  	v5 =	vadd.s32 v5, v7;
	v7 =	vld.idx.msk [tilespmem:v1+s4+$0x0 ss:$0x1], $0xffff  }
0x3a: {  	(v2sf) =	vpush v6, $0x0  }
0x3b: {  	(v2sf) =	vpush v6, $0x1  }
0x3c: {  	(v2sf) =	vpush v6, $0x2  }
0x3d: {  	(v2sf) =	vpush v6, $0x3  }
0x3e: {  	(v2sf) =	vpush v6, $0x4  }
0x3f: {  	(v2sf) =	vpush v6, $0x5  }
0x40: {  	(v2sf) =	vpush v6, $0x6  }
0x41: {  	(v2sf) =	vpush v6, $0x7  }
0x42: {  	(v2sf) =	vpush v6, $0x8  }
0x43: {  	(v2sf) =	vpush v6, $0x9  }
0x44: {  	(v2sf) =	vpush v6, $0xA  }
0x45: {  	(v2sf) =	vpush v6, $0xB  }
0x46: {  	(v2sf) =	vpush v6, $0xC  }
0x47: {  	(v2sf) =	vpush v6, $0xD  }
0x48: {  	(v2sf) =	vpush v6, $0xE  }
0x49: {  	v5 =	vadd.s32 v5, v7;
	s20 =	spop (v2sf);
	(v2sf) =	vpush v6, $0xF  }
0x4a: {  	s4 =	spop (v2sf);
	(v2sf) =	vpush v5, $0x0  }
0x4b: {  	s6 =	spop (v2sf);
	(v2sf) =	vpush v5, $0x1  }
0x4c: {  	s18 =	spop (v2sf)  }
0x4d: {  	(v2sf) =	vpush v5, $0x2;
	s23 =	spop (v2sf)  }
0x4e: {  	(v2sf) =	vpush v5, $0x3;
	s26 =	spop (v2sf)  }
0x4f: {  	(v2sf) =	vpush v5, $0x4;
	s28 =	spop (v2sf)  }
0x50: {  	(v2sf) =	vpush v5, $0x5;
	s29 =	spop (v2sf)  }
0x51: {  	(v2sf) =	vpush v5, $0x6;
	s30 =	spop (v2sf)  }
0x52: {  	(v2sf) =	vpush v5, $0x7;
	s31 =	spop (v2sf)  }
0x53: {  	(v2sf) =	vpush v5, $0x8;
	s0 =	spop (v2sf)  }
0x54: {  	(v2sf) =	vpush v5, $0x9;
	s15 =	spop (v2sf)  }
0x55: {  	[dreg:$0x1a] =	wrdreg s0;
	s1 =	spop (v2sf)  }
0x56: {  	(v2sf) =	vpush v5, $0xA;
	[dreg:$0x19] =	wrdreg s15;
	s2 =	spop (v2sf)  }
0x57: {  	(v2sf) =	vpush v5, $0xB;
	[dreg:$0x16] =	wrdreg s1;
	s15 =	spop (v2sf)  }
0x58: {  	(v2sf) =	vpush v5, $0xC;
	[dreg:$0x18] =	wrdreg s15;
	s15 =	spop (v2sf)  }
0x59: {  	s1 =	rddreg [dreg:$0xe];
	(v2sf) =	vpush v5, $0xD;
	s0 =	spop (v2sf)  }
0x5a: {  	[dreg:$0x17] =	wrdreg s2;
	(v2sf) =	vpush v5, $0xE;
	s2 =	spop (v2sf)  }
0x5b: {  	(v2sf) =	vpush v5, $0xF;
	s2 =	ssub.s32 s2, s1  }
0x5c: {  	s0 =	sadd.s32 s0, s2;
	s2 =	spop (v2sf)  }
0x5d: {  	s4 =	sadd.s32 s1, s4;
	s0 =	sadd.s32 s2, s0;
	s2 =	spop (v2sf)  }
0x5e: {  	s20 =	sadd.s32 s20, s4;
	s0 =	sadd.s32 s2, s0;
	s2 =	spop (v2sf)  }
0x5f: {  	s4 =	rddreg [dreg:$0x1a];
	s0 =	sadd.s32 s2, s0;
	s1 =	spop (v2sf)  }
0x60: {  	s2 =	sadd.s32 s6, s20;
	s0 =	sadd.s32 s1, s0;
	s6 =	spop (v2sf)  }
0x61: {  	s2 =	sadd.s32 s18, s2;
	s0 =	sadd.s32 s6, s0;
	s20 =	spop (v2sf)  }
0x62: {  	s2 =	sadd.s32 s23, s2;
	s0 =	sadd.s32 s20, s0;
	s23 =	spop (v2sf)  }
0x63: {  	s2 =	sadd.s32 s26, s2;
	s0 =	sadd.s32 s23, s0;
	s26 =	spop (v2sf)  }
0x64: {  	s18 =	rddreg [dreg:$0x19];
	s2 =	sadd.s32 s28, s2;
	s0 =	sadd.s32 s26, s0  }
0x65: {  	s28 =	spop (v2sf);
	s2 =	sadd.s32 s29, s2;
	s26 =	rddreg [dreg:$0x16]  }
0x66: {  	s0 =	sadd.s32 s28, s0;
	s29 =	spop (v2sf);
	s2 =	sadd.s32 s30, s2  }
0x67: {  	s28 =	rddreg [dreg:$0x17];
	s0 =	sadd.s32 s29, s0;
	s30 =	spop (v2sf)  }
0x68: {  	s2 =	sadd.s32 s31, s2;
	s0 =	sadd.s32 s30, s0;
	s1 =	spop (v2sf)  }
0x69: {  	s2 =	sadd.s32 s4, s2;
	s0 =	sadd.s32 s1, s0;
	s6 =	spop (v2sf)  }
0x6a: {  	s2 =	sadd.s32 s18, s2;
	s0 =	sadd.s32 s6, s0;
	s20 =	spop (v2sf)  }
0x6b: {  	s29 =	rddreg [dreg:$0x18];
	s23 =	sadd.s32 s20, s0;
	s0 =	sadd.s32 s26, s2  }
0x6c: {  	p1 =	sgt.s32 s23, $0x0;
	s0 =	sadd.s32 s28, s0;
	s2 =	smov.u32 s23  }
0x6d: {  	s0 =	sadd.s32 s29, s0;
	s2 =	simm.s32 @!p1 $0x0  }
0x6e: {  	s31 =	simm.s32 $0x0;
	s30 =	smin.u32 s2, $0x200;
	s0 =	sadd.s32 s15, s0  }
0x6f: {  	v7 =	vor.u32 s31, v0;
	v5 =	vmov s30;
	v6 =	vmov s0  }
0x70: {  	vm1 =	vlt.u32 v7, v5;
	v7 =	vadd.s32 v6, v7  }
0x71: {  	[dreg:$0x15] =	wrdreg s23;
	s0 =	simm.s32 $0x4000;
	v7 =	vnsel vm1, $0x3FFF, v7  }
0x72: {  	s4 =	simm.s32 $0x10;
	[dreg:$0x14] =	wrdreg s30;
	[tilespmem:s0+$0x0] =	vst v7  }
.LBB2_8:
0x73: {  	p1 =	sne.s32 s4, $0x1F0  }
.Ltmp6:
0x74: {  	_ = 	snop;
	(pc) =	sbr.rel @p1 .LBB2_8-.Ltmp6, $4  }
0x75: {  	v7 =	vor.u32 s4, v0  }
0x76: {  	vm1 =	vlt.u32 v7, v5;
	v7 =	vadd.s32 v6, v7  }
0x77: {  	s0 =	sadd.s32 $0x10, s0;
	v7 =	vnsel vm1, $0x3FFF, v7  }
0x78: {  	s4 =	sadd.s32 $0x10, s4;
	[tilespmem:s0+$0x0] =	vst v7  }
0x79: {  	v5 =	vld.msk [tilespmem:$0x4000], $0xff;
	_ =	sdelay $0x4  }
0x7a: {  	v6 =	vshll.u32 v5, $0x5  }
0x7b: {  	v5 =	vand.u32 $0x7, v5;
	v6 =	vand.u32 $0xFFFFFF00, v6  }
0x7c: {  	v5 =	vor.u32 v5, v6  }
0x7d: {  	v5 =	vperm.xlane v5, v2;
	_ =	sdelay $0x1  }
0x7e: {  	v5 =	vadd.s32 v3, v5;
	_ =	sdelay $0x3  }
0x7f: {  	s4 =	simm.s32 $0x0  }
0x80: {  	[tilespmem:s14], [sflag:$0x1] =	stream.indirect_vreg.gather [hbm4b:s3+s4], $0x80, v5, vm0, $0xb8;
	[tilespmem:$0x1C200] =	vst v63  }
0x81: {  	s0 =	simm.s32 $0x4A00  }
0x82: {  	[tilespmem:s0], [sflag:$0x1] =	stream.indirect_vreg.gather [hbm4b:s24+s4], $0x80, v5, vm0, $0xb8;
	[tilespmem:$0x1C200] =	vst v63  }
0x83: {  	s20 =	simm.s32 $0x5200  }
0x84: {  	[tilespmem:s20], [sflag:$0x1] =	stream.indirect_vreg.gather [hbm4b:s17+s4], $0x80, v5, vm0, $0xb8;
	[tilespmem:$0x1C200] =	vst v63  }
0x85: {  	s23 =	simm.s32 $0x5A00  }
0x86: {  	[tilespmem:s23], [sflag:$0x1] =	stream.indirect_vreg.gather [hbm4b:s19+s4], $0x80, v5, vm0, $0xb8;
	[tilespmem:$0x1C200] =	vst v63  }
0x87: {  	s26 =	simm.s32 $0x6200  }
0x88: {  	[tilespmem:s26], [sflag:$0x1] =	stream.indirect_vreg.gather [hbm4b:s21+s4], $0x80, v5, vm0, $0xb8;
	[tilespmem:$0x1C200] =	vst v63  }
0x89: {  	s31 =	simm.s32 $0x6A00  }
0x8a: {  	[tilespmem:s31], [sflag:$0x1] =	stream.indirect_vreg.gather [hbm4b:s22+s4], $0x80, v5, vm0, $0xb8;
	[tilespmem:$0x1C200] =	vst v63  }
0x8b: {  	s1 =	simm.s32 $0x7200  }
0x8c: {  	[tilespmem:s1], [sflag:$0x1] =	stream.indirect_vreg.gather [hbm4b:s9+s4], $0x80, v5, vm0, $0xb8;
	[tilespmem:$0x1C200] =	vst v63  }
0x8d: {  	s2 =	simm.s32 $0x7A00  }
0x8e: {  	[tilespmem:s2], [sflag:$0x1] =	stream.indirect_vreg.gather [hbm4b:s10+s4], $0x80, v5, vm0, $0xb8;
	[tilespmem:$0x1C200] =	vst v63  }
0x8f: {  	s6 =	simm.s32 $0x8200  }
0x90: {  	[tilespmem:s6], [sflag:$0x1] =	stream.indirect_vreg.gather [hbm4b:s11+s4], $0x80, v5, vm0, $0xb8;
	[tilespmem:$0x1C200] =	vst v63  }
0x91: {  	s14 =	simm.s32 $0x8A00  }
0x92: {  	[tilespmem:s14], [sflag:$0x1] =	stream.indirect_vreg.gather [hbm4b:s12+s4], $0x80, v5, vm0, $0xb8;
	[tilespmem:$0x1C200] =	vst v63  }
0x93: {  	s15 =	simm.s32 $0x9200;
	s14 =	rddreg [dreg:$0x5]  }
0x94: {  	[tilespmem:s15], [sflag:$0x1] =	stream.indirect_vreg.gather [hbm4b:s14+s4], $0x80, v5, vm0, $0xb8;
	[tilespmem:$0x1C200] =	vst v63  }
0x95: {  	s18 =	simm.s32 $0x9A00;
	s1 =	rddreg [dreg:$0x4]  }
0x96: {  	[tilespmem:s18], [sflag:$0x1] =	stream.indirect_vreg.gather [hbm4b:s1+s4], $0x80, v5, vm0, $0xb8;
	[tilespmem:$0x1C200] =	vst v63  }
0x97: {  	p2 =	por $0x0, $0x0;
	s20 =	simm.s32 $0xA200  }
0x98: {  	[tilespmem:s20], [sflag:$0x1] =	stream.indirect_vreg.gather [hbm4b:s7+s4], $0x80, v5, vm0, $0xb8;
	[tilespmem:$0x1C200] =	vst v63  }
0x99: {  	p3 =	por @!p2 $0x1, $0x1;
	p1 =	por p2, p2;
	s23 =	simm.s32 $0xAA00  }
0x9a: {  	[tilespmem:s23], [sflag:$0x1] =	stream.indirect_vreg.gather [hbm4b:s16+s4], $0x80, v5, vm0, $0xb8;
	[tilespmem:$0x1C200] =	vst v63  }
0x9b: {  	p3 =	por p3, p1;
	s26 =	simm.s32 $0xB200  }
0x9c: {  	[tilespmem:s26], [sflag:$0x1] =	stream.indirect_vreg.gather [hbm4b:s13+s4], $0x80, v5, vm0, $0xb8;
	[tilespmem:$0x1C200] =	vst v63  }
0x9d: {  	s0 =	simm.s32 @!p3 $0x2;
	s31 =	simm.s32 $0xBA00  }
0x9e: {  	[tilespmem:s31], [sflag:$0x1] =	stream.indirect_vreg.gather [hbm4b:s25+s4], $0x80, v5, vm0, $0xb8;
	[tilespmem:$0x1C200] =	vst v63  }
0x9f: {  	_ =	swait.ge @!p3 [sflag:s0], $0x8000  }
0xa0: {  	[sflag:s0] =	ssyncset.done @!p3 $0x0  }
0xa1: {  	s6 =	simm.s32 $0x4008;
	[sflag:s0] =	ssyncadd.s32 @!p3 $0xFFFF8000  }
0xa2: {  	v5 =	vld.msk @!p1 [tilespmem:s6+$0x0], $0xff;
	_ =	sdelay $0x3  }
0xa3: {  	s30 =	simm.s32 $0x1  }
0xa4: {  	s0 =	smul.u32 @!p2 $0xAB, s30;
	v6 =	vshll.u32 @!p1 v5, $0x5  }
0xa5: {  	v7 =	vlaneseq.u32 @!p2;
	v5 =	vand.u32 @!p1 $0x7, v5;
	v6 =	vand.u32 @!p1 $0xFFFFFF00, v6  }
0xa6: {  	v8 =	vand.u32 @!p1 $0x7, v7;
	v7 =	vshrl.u32 @!p1 v7, $0x3;
	s0 =	sshrl.u32 @!p1 s0, $0x9;
	v5 =	vor.u32 @!p1 v5, v6  }
0xa7: {  	s0 =	sand.u32 @!p1 $0x7F, s0;
	v6 =	vmul.u32 @!p1 $0x8, v7;
	v5 =	vperm.xlane @!p1 v5, v8  }
0xa8: {  	s0 =	smul.u32 @!p1 $0x3, s0  }
0xa9: {  	v5 =	vadd.s32 @!p1 v6, v5  }
0xaa: {  	s0 =	ssub.s32 @!p1 $0x1, s0  }
0xab: {  	s0 =	sand.u32 @!p1 $0xFF, s0  }
0xac: {  	s6 =	sshll.u32 @!p1 s0, $0xF  }
0xad: {  	vm1 =	vmmov @!p1 $0xffff;
	s0 =	simm.s32 @!p1 $0x0;
	s18 =	sor.u32 @!p1 $0x4200, s6  }
0xae: {  	[tilespmem:s18], [sflag:$0x1] =	stream.indirect_vreg.gather @!p1 [hbm4b:s3+s0], $0x80, v5, vm1, $0xb8;
	[tilespmem:$0x1C200] =	vst v63  }
0xaf: {  	s18 =	sor.u32 @!p1 $0x4A00, s6  }
0xb0: {  	[tilespmem:s18], [sflag:$0x1] =	stream.indirect_vreg.gather @!p1 [hbm4b:s24+s0], $0x80, v5, vm1, $0xb8;
	[tilespmem:$0x1C200] =	vst v63  }
0xb1: {  	s18 =	sor.u32 @!p1 $0x5200, s6  }
0xb2: {  	[tilespmem:s18], [sflag:$0x1] =	stream.indirect_vreg.gather @!p1 [hbm4b:s17+s0], $0x80, v5, vm1, $0xb8;
	[tilespmem:$0x1C200] =	vst v63  }
0xb3: {  	s18 =	sor.u32 @!p1 $0x5A00, s6  }
0xb4: {  	[tilespmem:s18], [sflag:$0x1] =	stream.indirect_vreg.gather @!p1 [hbm4b:s19+s0], $0x80, v5, vm1, $0xb8;
	[tilespmem:$0x1C200] =	vst v63  }
0xb5: {  	s18 =	sor.u32 @!p1 $0x6200, s6  }
0xb6: {  	[tilespmem:s18], [sflag:$0x1] =	stream.indirect_vreg.gather @!p1 [hbm4b:s21+s0], $0x80, v5, vm1, $0xb8;
	[tilespmem:$0x1C200] =	vst v63  }
0xb7: {  	s18 =	sor.u32 @!p1 $0x6A00, s6  }
0xb8: {  	[tilespmem:s18], [sflag:$0x1] =	stream.indirect_vreg.gather @!p1 [hbm4b:s22+s0], $0x80, v5, vm1, $0xb8;
	[tilespmem:$0x1C200] =	vst v63  }
0xb9: {  	s18 =	sor.u32 @!p1 $0x7200, s6  }
0xba: {  	[tilespmem:s18], [sflag:$0x1] =	stream.indirect_vreg.gather @!p1 [hbm4b:s9+s0], $0x80, v5, vm1, $0xb8;
	[tilespmem:$0x1C200] =	vst v63  }
0xbb: {  	s18 =	sor.u32 @!p1 $0x7A00, s6  }
0xbc: {  	[tilespmem:s18], [sflag:$0x1] =	stream.indirect_vreg.gather @!p1 [hbm4b:s10+s0], $0x80, v5, vm1, $0xb8;
	[tilespmem:$0x1C200] =	vst v63  }
0xbd: {  	s18 =	sadd.s32 @!p1 $0x8200, s6  }
0xbe: {  	[tilespmem:s18], [sflag:$0x1] =	stream.indirect_vreg.gather @!p1 [hbm4b:s11+s0], $0x80, v5, vm1, $0xb8;
	[tilespmem:$0x1C200] =	vst v63  }
0xbf: {  	s4 =	smul.u32 $0xAB, s4;
	s18 =	sadd.s32 @!p1 $0x8A00, s6  }
0xc0: {  	[tilespmem:s18], [sflag:$0x1] =	stream.indirect_vreg.gather @!p1 [hbm4b:s12+s0], $0x80, v5, vm1, $0xb8;
	[tilespmem:$0x1C200] =	vst v63  }
0xc1: {  	s29 =	simm.s32 $0x2;
	s4 =	sshrl.u32 s4, $0x9;
	s18 =	sadd.s32 @!p1 $0x9200, s6  }
0xc2: {  	[tilespmem:s18], [sflag:$0x1] =	stream.indirect_vreg.gather @!p1 [hbm4b:s14+s0], $0x80, v5, vm1, $0xb8;
	[tilespmem:$0x1C200] =	vst v63  }
0xc3: {  	s23 =	rddreg [dreg:$0x10];
	s26 =	sand.u32 $0x7F, s4;
	s18 =	sadd.s32 @!p1 $0x9A00, s6  }
0xc4: {  	[tilespmem:s18], [sflag:$0x1] =	stream.indirect_vreg.gather @!p1 [hbm4b:s1+s0], $0x80, v5, vm1, $0xb8;
	[tilespmem:$0x1C200] =	vst v63  }
0xc5: {  	p3 =	por $0x0, $0x0;
	s28 =	smul.u32 $0x3, s26;
	s18 =	sadd.s32 @!p1 $0xA200, s6  }
0xc6: {  	[tilespmem:s18], [sflag:$0x1] =	stream.indirect_vreg.gather @!p1 [hbm4b:s7+s0], $0x80, v5, vm1, $0xb8;
	[tilespmem:$0x1C200] =	vst v63  }
0xc7: {  	s26 =	simm.s32 $0x4010;
	p4 =	por @!p3 $0x1, $0x1;
	s18 =	sadd.s32 @!p1 $0xAA00, s6  }
0xc8: {  	[tilespmem:s18], [sflag:$0x1] =	stream.indirect_vreg.gather @!p1 [hbm4b:s16+s0], $0x80, v5, vm1, $0xb8;
	[tilespmem:$0x1C200] =	vst v63  }
0xc9: {  	s28 =	ssub.s32 $0x0, s28;
	s20 =	sadd.s32 @!p1 $0xB200, s6;
	s4 =	sadd.s32 @!p1 $0xBA00, s6  }
0xca: {  	[tilespmem:s20], [sflag:$0x1] =	stream.indirect_vreg.gather @!p1 [hbm4b:s13+s0], $0x80, v5, vm1, $0xb8;
	[tilespmem:$0x1C200] =	vst v63  }
0xcb: {  	v6 =	vlaneseq.u32 @!p3;
	s6 =	sadd.s32 $0x1000, s23;
	s18 =	smul.u32 @!p3 $0xAB, s29;
	s20 =	simm.s32 $0x2  }
.LBB2_10:
0xcc: {  	[tilespmem:s4], [sflag:$0x1] =	stream.indirect_vreg.gather @!p1 [hbm4b:s25+s0], $0x80, v5, vm1, $0xb8;
	[tilespmem:$0x1C200] =	vst v63  }
0xcd: {  	s3 =	smov.u32 s30  }
0xce: {  	s4 =	smov.u32 s29;
	[dreg:$0x6] =	wrdreg s3  }
0xcf: {  	p1 =	por p3, p3;
	[dreg:$0x7] =	wrdreg s4  }
0xd0: {  	s14 =	sand.u32 $0xFF, s28;
	p3 =	por p4, p1;
	_ =	swait.ge [sflag:s5], $0x8000  }
0xd1: {  	s0 =	sshrl.u32 @!p1 s18, $0x9;
	s4 =	sshll.u32 s14, $0xF;
	[sflag:s5] =	ssyncset.done $0x0  }
0xd2: {  	s18 =	simm.s32 @!p3 $0x2;
	s4 =	sor.u32 $0x4200, s4;
	[sflag:s5] =	ssyncadd.s32 $0xFFFF8000  }
0xd3: {  	[hbm4b:s23+s8] =	stream.linear.scatter [tilespmem:s4], [sflag:$0x2], $0x8000, $0x38;
	[tilespmem:$0x1C200] =	vst v63  }
0xd4: {  	_ =	swait.ge @!p3 [sflag:s18], $0x8000  }
0xd5: {  	[sflag:s18] =	ssyncset.done @!p3 $0x0  }
0xd6: {  	[sflag:s18] =	ssyncadd.s32 @!p3 $0xFFFF8000  }
0xd7: {  	v5 =	vld.msk @!p1 [tilespmem:s26+$0x0], $0xff  }
0xd8: {  	s0 =	sand.u32 @!p1 $0x7F, s0  }
0xd9: {  	s0 =	smul.u32 @!p1 $0x3, s0;
	_ =	sdelay $0x1  }
0xda: {  	s0 =	ssub.s32 @!p1 s20, s0  }
0xdb: {  	s0 =	sand.u32 @!p1 $0xFF, s0;
	v8 =	vshll.u32 @!p1 v5, $0x5  }
0xdc: {  	s0 =	sshll.u32 @!p1 s0, $0xF;
	v5 =	vand.u32 @!p1 $0x7, v5;
	v8 =	vand.u32 @!p1 $0xFFFFFF00, v8  }
0xdd: {  	s30 =	smov.u32 s7;
	v7 =	vand.u32 @!p1 $0x7, v6;
	v6 =	vshrl.u32 @!p1 v6, $0x3;
	s2 =	sor.u32 @!p1 $0x4200, s0;
	s31 =	sor.u32 @!p1 $0x4A00, s0;
	v5 =	vor.u32 @!p1 v5, v8  }
0xde: {  	v6 =	vmul.u32 @!p1 $0x8, v6;
	s1 =	sor.u32 @!p1 $0x5200, s0;
	s3 =	sor.u32 @!p1 $0x5A00, s0;
	s4 =	sadd.s32 @!p1 $0x9200, s0;
	v5 =	vperm.xlane @!p1 v5, v7  }
0xdf: {  	s7 =	sor.u32 @!p1 $0x6200, s0;
	s8 =	sor.u32 @!p1 $0x6A00, s0;
	[dreg:$0xc] =	wrdreg s4  }
0xe0: {  	s5 =	sor.u32 @!p1 $0x7200, s0;
	s4 =	sadd.s32 @!p1 $0x9A00, s0;
	s28 =	rddreg [dreg:$0x0];
	v5 =	vadd.s32 @!p1 v6, v5  }
0xe1: {  	s15 =	sor.u32 @!p1 $0x7A00, s0;
	[dreg:$0xa] =	wrdreg s4;
	s4 =	sadd.s32 @!p1 $0xA200, s0  }
0xe2: {  	s14 =	sadd.s32 @!p1 $0x8200, s0;
	[dreg:$0xb] =	wrdreg s4;
	s4 =	sadd.s32 @!p1 $0xAA00, s0  }
0xe3: {  	s18 =	sadd.s32 @!p1 $0x8A00, s0;
	[dreg:$0x9] =	wrdreg s4;
	s4 =	sadd.s32 @!p1 $0xB200, s0  }
0xe4: {  	vm1 =	vmmov @!p1 $0xffff;
	[dreg:$0x8] =	wrdreg s4;
	s4 =	sadd.s32 @!p1 $0xBA00, s0;
	s0 =	simm.s32 @!p1 $0x0  }
0xe5: {  	[tilespmem:s2], [sflag:$0x1] =	stream.indirect_vreg.gather @!p1 [hbm4b:s28+s0], $0x80, v5, vm1, $0xb8;
	[tilespmem:$0x1C200] =	vst v63  }
0xe6: {  	_ = 	snop  }
0xe7: {  	[tilespmem:s31], [sflag:$0x1] =	stream.indirect_vreg.gather @!p1 [hbm4b:s24+s0], $0x80, v5, vm1, $0xb8;
	[tilespmem:$0x1C200] =	vst v63  }
0xe8: {  	_ = 	snop  }
0xe9: {  	[tilespmem:s1], [sflag:$0x1] =	stream.indirect_vreg.gather @!p1 [hbm4b:s17+s0], $0x80, v5, vm1, $0xb8;
	[tilespmem:$0x1C200] =	vst v63  }
0xea: {  	_ = 	snop  }
0xeb: {  	[tilespmem:s3], [sflag:$0x1] =	stream.indirect_vreg.gather @!p1 [hbm4b:s19+s0], $0x80, v5, vm1, $0xb8;
	[tilespmem:$0x1C200] =	vst v63  }
0xec: {  	_ = 	snop  }
0xed: {  	[tilespmem:s7], [sflag:$0x1] =	stream.indirect_vreg.gather @!p1 [hbm4b:s21+s0], $0x80, v5, vm1, $0xb8;
	[tilespmem:$0x1C200] =	vst v63  }
0xee: {  	_ = 	snop  }
0xef: {  	[tilespmem:s8], [sflag:$0x1] =	stream.indirect_vreg.gather @!p1 [hbm4b:s22+s0], $0x80, v5, vm1, $0xb8;
	[tilespmem:$0x1C200] =	vst v63  }
0xf0: {  	s29 =	sadd.s32 $0x1, s29;
	s2 =	rddreg [dreg:$0xc]  }
0xf1: {  	[tilespmem:s5], [sflag:$0x1] =	stream.indirect_vreg.gather @!p1 [hbm4b:s9+s0], $0x80, v5, vm1, $0xb8;
	[tilespmem:$0x1C200] =	vst v63  }
0xf2: {  	p2 =	sne.s32 s29, $0x40;
	s20 =	smov.u32 s29;
	s1 =	rddreg [dreg:$0x5]  }
0xf3: {  	[tilespmem:s15], [sflag:$0x1] =	stream.indirect_vreg.gather @!p1 [hbm4b:s10+s0], $0x80, v5, vm1, $0xb8;
	[tilespmem:$0x1C200] =	vst v63  }
0xf4: {  	s23 =	smov.u32 s6;
	s3 =	smov.u32 s13;
	s13 =	rddreg [dreg:$0xa]  }
0xf5: {  	[tilespmem:s14], [sflag:$0x1] =	stream.indirect_vreg.gather @!p1 [hbm4b:s11+s0], $0x80, v5, vm1, $0xb8;
	[tilespmem:$0x1C200] =	vst v63  }
0xf6: {  	s6 =	sadd.s32 $0x1000, s6;
	s7 =	smov.u32 s30;
	s30 =	rddreg [dreg:$0x7]  }
0xf7: {  	[tilespmem:s18], [sflag:$0x1] =	stream.indirect_vreg.gather @!p1 [hbm4b:s12+s0], $0x80, v5, vm1, $0xb8;
	[tilespmem:$0x1C200] =	vst v63  }
0xf8: {  	s26 =	sadd.s32 $0x8, s26;
	p3 =	seq.s32 s30, $0x3F;
	s15 =	rddreg [dreg:$0x6]  }
0xf9: {  	[tilespmem:s2], [sflag:$0x1] =	stream.indirect_vreg.gather @!p1 [hbm4b:s1+s0], $0x80, v5, vm1, $0xb8;
	[tilespmem:$0x1C200] =	vst v63  }
0xfa: {  	s8 =	simm.s32 $0x0;
	s31 =	smul.u32 $0xAB, s15;
	s2 =	rddreg [dreg:$0x4]  }
0xfb: {  	[tilespmem:s13], [sflag:$0x1] =	stream.indirect_vreg.gather @!p1 [hbm4b:s2+s0], $0x80, v5, vm1, $0xb8;
	[tilespmem:$0x1C200] =	vst v63  }
0xfc: {  	s18 =	smul.u32 @!p3 $0xAB, s20;
	s1 =	sshrl.u32 s31, $0x9;
	s2 =	rddreg [dreg:$0xb]  }
0xfd: {  	[tilespmem:s2], [sflag:$0x1] =	stream.indirect_vreg.gather @!p1 [hbm4b:s7+s0], $0x80, v5, vm1, $0xb8;
	[tilespmem:$0x1C200] =	vst v63  }
.Ltmp7:
0xfe: {  	p4 =	slt.u32 @!p3 s30, $0x2;
	s1 =	sand.u32 $0x7F, s1;
	(pc) =	sbr.rel @p2 .LBB2_10-.Ltmp7, $4  }
0xff: {  	s5 =	simm.s32 $0x1;
	s1 =	smul.u32 $0x3, s1;
	s2 =	rddreg [dreg:$0x9]  }
0x100: {  	[tilespmem:s2], [sflag:$0x1] =	stream.indirect_vreg.gather @!p1 [hbm4b:s16+s0], $0x80, v5, vm1, $0xb8;
	[tilespmem:$0x1C200] =	vst v63  }
0x101: {  	s13 =	smov.u32 s3;
	s28 =	ssub.s32 s15, s1;
	s2 =	rddreg [dreg:$0x8]  }
0x102: {  	v6 =	vlaneseq.u32 @!p3;
	[tilespmem:s2], [sflag:$0x1] =	stream.indirect_vreg.gather @!p1 [hbm4b:s3+s0], $0x80, v5, vm1, $0xb8;
	[tilespmem:$0x1C200] =	vst v63  }
0x103: {  	_ =	sdelay $0x3  }
0x104: {  	[tilespmem:s4], [sflag:$0x1] =	stream.indirect_vreg.gather @!p1 [hbm4b:s25+s0], $0x80, v5, vm1, $0xb8;
	[tilespmem:$0x1C200] =	vst v63  }
0x105: {  	s3 =	sand.u32 $0xFF, s28;
	_ =	swait.ge [sflag:s5], $0x8000  }
0x106: {  	p1 =	por p3, p3;
	s0 =	sshll.u32 s3, $0xF;
	[sflag:s5] =	ssyncset.done $0x0  }
0x107: {  	p2 =	por p4, p1;
	s0 =	sor.u32 $0x4200, s0;
	[sflag:s5] =	ssyncadd.s32 $0xFFFF8000  }
0x108: {  	[hbm4b:s23+s8] =	stream.linear.scatter [tilespmem:s0], [sflag:$0x2], $0x8000, $0x38;
	[tilespmem:$0x1C200] =	vst v63  }
0x109: {  	s0 =	simm.s32 @!p2 $0x2  }
0x10a: {  	_ =	swait.ge @!p2 [sflag:s0], $0x8000  }
0x10b: {  	[sflag:s0] =	ssyncset.done @!p2 $0x0  }
0x10c: {  	[sflag:s0] =	ssyncadd.s32 @!p2 $0xFFFF8000  }
0x10d: {  	v5 =	vld.msk @!p1 [tilespmem:s26+$0x0], $0xff;
	_ =	sdelay $0x4  }
0x10e: {  	v7 =	vshll.u32 @!p1 v5, $0x5  }
0x10f: {  	v5 =	vand.u32 @!p1 $0x7, v5;
	v7 =	vand.u32 @!p1 $0xFFFFFF00, v7  }
0x110: {  	v8 =	vand.u32 @!p1 $0x7, v6;
	v6 =	vshrl.u32 @!p1 v6, $0x3;
	s0 =	sshrl.u32 @!p1 s18, $0x9;
	v5 =	vor.u32 @!p1 v5, v7  }
0x111: {  	v6 =	vmul.u32 @!p1 $0x8, v6;
	s0 =	sand.u32 @!p1 $0x7F, s0;
	v5 =	vperm.xlane @!p1 v5, v8  }
0x112: {  	s0 =	smul.u32 @!p1 $0x3, s0  }
0x113: {  	v5 =	vadd.s32 @!p1 v6, v5  }
0x114: {  	s0 =	ssub.s32 @!p1 s20, s0  }
0x115: {  	s0 =	sand.u32 @!p1 $0xFF, s0  }
0x116: {  	s0 =	sshll.u32 @!p1 s0, $0xF  }
0x117: {  	vm1 =	vmmov @!p1 $0xffff;
	s2 =	simm.s32 @!p1 $0x0;
	s14 =	rddreg [dreg:$0x0];
	s1 =	sor.u32 @!p1 $0x4200, s0  }
0x118: {  	[tilespmem:s1], [sflag:$0x1] =	stream.indirect_vreg.gather @!p1 [hbm4b:s14+s2], $0x80, v5, vm1, $0xb8;
	[tilespmem:$0x1C200] =	vst v63  }
0x119: {  	s1 =	sor.u32 @!p1 $0x4A00, s0  }
0x11a: {  	[tilespmem:s1], [sflag:$0x1] =	stream.indirect_vreg.gather @!p1 [hbm4b:s24+s2], $0x80, v5, vm1, $0xb8;
	[tilespmem:$0x1C200] =	vst v63  }
0x11b: {  	s1 =	sor.u32 @!p1 $0x5200, s0  }
0x11c: {  	[tilespmem:s1], [sflag:$0x1] =	stream.indirect_vreg.gather @!p1 [hbm4b:s17+s2], $0x80, v5, vm1, $0xb8;
	[tilespmem:$0x1C200] =	vst v63  }
0x11d: {  	s1 =	sor.u32 @!p1 $0x5A00, s0  }
0x11e: {  	[tilespmem:s1], [sflag:$0x1] =	stream.indirect_vreg.gather @!p1 [hbm4b:s19+s2], $0x80, v5, vm1, $0xb8;
	[tilespmem:$0x1C200] =	vst v63  }
0x11f: {  	s1 =	sor.u32 @!p1 $0x6200, s0  }
0x120: {  	[tilespmem:s1], [sflag:$0x1] =	stream.indirect_vreg.gather @!p1 [hbm4b:s21+s2], $0x80, v5, vm1, $0xb8;
	[tilespmem:$0x1C200] =	vst v63  }
0x121: {  	s1 =	sor.u32 @!p1 $0x6A00, s0  }
0x122: {  	[tilespmem:s1], [sflag:$0x1] =	stream.indirect_vreg.gather @!p1 [hbm4b:s22+s2], $0x80, v5, vm1, $0xb8;
	[tilespmem:$0x1C200] =	vst v63  }
0x123: {  	s1 =	sor.u32 @!p1 $0x7200, s0  }
0x124: {  	[tilespmem:s1], [sflag:$0x1] =	stream.indirect_vreg.gather @!p1 [hbm4b:s9+s2], $0x80, v5, vm1, $0xb8;
	[tilespmem:$0x1C200] =	vst v63  }
0x125: {  	s1 =	sor.u32 @!p1 $0x7A00, s0  }
0x126: {  	[tilespmem:s1], [sflag:$0x1] =	stream.indirect_vreg.gather @!p1 [hbm4b:s10+s2], $0x80, v5, vm1, $0xb8;
	[tilespmem:$0x1C200] =	vst v63  }
0x127: {  	s1 =	sadd.s32 @!p1 $0x8200, s0  }
0x128: {  	[tilespmem:s1], [sflag:$0x1] =	stream.indirect_vreg.gather @!p1 [hbm4b:s11+s2], $0x80, v5, vm1, $0xb8;
	[tilespmem:$0x1C200] =	vst v63  }
0x129: {  	s1 =	sadd.s32 @!p1 $0x8A00, s0  }
0x12a: {  	[tilespmem:s1], [sflag:$0x1] =	stream.indirect_vreg.gather @!p1 [hbm4b:s12+s2], $0x80, v5, vm1, $0xb8;
	[tilespmem:$0x1C200] =	vst v63  }
0x12b: {  	s3 =	rddreg [dreg:$0x5];
	s1 =	sadd.s32 @!p1 $0x9200, s0  }
0x12c: {  	[tilespmem:s1], [sflag:$0x1] =	stream.indirect_vreg.gather @!p1 [hbm4b:s3+s2], $0x80, v5, vm1, $0xb8;
	[tilespmem:$0x1C200] =	vst v63  }
0x12d: {  	s1 =	sadd.s32 @!p1 $0x9A00, s0;
	s3 =	rddreg [dreg:$0x4]  }
0x12e: {  	[tilespmem:s1], [sflag:$0x1] =	stream.indirect_vreg.gather @!p1 [hbm4b:s3+s2], $0x80, v5, vm1, $0xb8;
	[tilespmem:$0x1C200] =	vst v63  }
0x12f: {  	s1 =	sadd.s32 @!p1 $0xA200, s0  }
0x130: {  	[tilespmem:s1], [sflag:$0x1] =	stream.indirect_vreg.gather @!p1 [hbm4b:s7+s2], $0x80, v5, vm1, $0xb8;
	[tilespmem:$0x1C200] =	vst v63  }
0x131: {  	s4 =	smul.u32 $0xAB, s30;
	s1 =	sadd.s32 @!p1 $0xAA00, s0  }
0x132: {  	[tilespmem:s1], [sflag:$0x1] =	stream.indirect_vreg.gather @!p1 [hbm4b:s16+s2], $0x80, v5, vm1, $0xb8;
	[tilespmem:$0x1C200] =	vst v63  }
0x133: {  	s15 =	sshrl.u32 s4, $0x9;
	s1 =	sadd.s32 @!p1 $0xB200, s0  }
0x134: {  	[tilespmem:s1], [sflag:$0x1] =	stream.indirect_vreg.gather @!p1 [hbm4b:s13+s2], $0x80, v5, vm1, $0xb8;
	[tilespmem:$0x1C200] =	vst v63  }
0x135: {  	s1 =	sand.u32 $0x7F, s15  }
0x136: {  	s0 =	sadd.s32 @!p1 $0xBA00, s0;
	s1 =	smul.u32 $0x3, s1  }
0x137: {  	[tilespmem:s0], [sflag:$0x1] =	stream.indirect_vreg.gather @!p1 [hbm4b:s25+s2], $0x80, v5, vm1, $0xb8;
	[tilespmem:$0x1C200] =	vst v63  }
0x138: {  	s18 =	ssub.s32 s30, s1  }
0x139: {  	_ =	swait.ge [sflag:s5], $0x8000;
	s0 =	sand.u32 $0xFF, s18  }
0x13a: {  	[sflag:s5] =	ssyncset.done $0x0;
	s0 =	sshll.u32 s0, $0xF  }
0x13b: {  	s20 =	simm.s32 $0x2;
	[sflag:s5] =	ssyncadd.s32 $0xFFFF8000;
	s0 =	sor.u32 $0x4200, s0  }
0x13c: {  	[hbm4b:s6+s8] =	stream.linear.scatter [tilespmem:s0], [sflag:$0x2], $0x8000, $0x38;
	[tilespmem:$0x1C200] =	vst v63  }
0x13d: {  	_ =	swait.ge [sflag:s20], $0x8000  }
0x13e: {  	s23 =	rddreg [dreg:$0x14]  }
0x13f: {  	s28 =	rddreg [dreg:$0x15];
	s26 =	sand.u32 $0x7, s23  }
0x140: {  	p5 =	slt.s32 s28, $0x1;
	p6 =	sne.s32 s26, $0x0  }
0x141: {  	p1 =	por !p5, !p6  }
0x142: {  	s0 =	simm.s32 $0x1;
	p1 =	por !p1, !p1  }
0x143: {  	[sflag:s20] =	ssyncset.done $0x0;
	s1 =	sshrl.u32 s23, $0x3;
	s0 =	simm.s32 @!p1 $0x0  }
0x144: {  	[sflag:s20] =	ssyncadd.s32 $0xFFFF8000;
	s4 =	ssub.s32 s1, s0  }
0x145: {  	_ =	swait.ge [sflag:s20], $0x8000;
	p1 =	sgt.s32 s4, $0x3F  }
.Ltmp8:
0x146: {  	[sflag:s20] =	ssyncset.done $0x0;
	(pc) =	sbr.rel @p1 .LBB2_38-.Ltmp8, $4  }
0x147: {  	[sflag:s20] =	ssyncadd.s32 $0xFFFF8000  }
0x148: {  	s29 =	simm.s32 $0x4A00;
	s31 =	simm.s32 $0x5A00;
	_ =	swait.ge [sflag:s20], $0x8000  }
0x149: {  	s3 =	smov.u32 s14;
	s14 =	simm.s32 $0x4200;
	[sflag:s20] =	ssyncset.done $0x0  }
0x14a: {  	s30 =	simm.s32 $0x5200;
	s15 =	rddreg [dreg:$0xf];
	[sflag:s20] =	ssyncadd.s32 $0xFFFF8000  }
0x14b: {  	s23 =	ssub.s32 $0x40, s4;
	s26 =	simm.s32 $0x0;
	s6 =	simm.s32 $0x0  }
.LBB2_13:
0x14c: {  	s20 =	sadd.s32 s4, s6  }
0x14d: {  	s0 =	sshll.u32 s20, $0x3  }
0x14e: {  	v5 =	vld.msk [tilespmem:s0+$0x4000], $0xff;
	_ =	sdelay $0x4  }
0x14f: {  	v6 =	vshll.u32 v5, $0x5  }
0x150: {  	v5 =	vand.u32 $0x7, v5;
	v6 =	vand.u32 $0xFFFFFF00, v6  }
0x151: {  	v5 =	vor.u32 v5, v6  }
0x152: {  	v5 =	vperm.xlane v5, v2;
	_ =	sdelay $0x1  }
0x153: {  	v5 =	vadd.s32 v3, v5;
	_ =	sdelay $0x4  }
0x154: {  	[tilespmem:s14], [sflag:$0x1] =	stream.indirect_vreg.gather [hbm4b:s3+s26], $0x80, v5, vm0, $0xb8;
	[tilespmem:$0x1C200] =	vst v63  }
0x155: {  	_ = 	snop  }
0x156: {  	[tilespmem:s29], [sflag:$0x1] =	stream.indirect_vreg.gather [hbm4b:s24+s26], $0x80, v5, vm0, $0xb8;
	[tilespmem:$0x1C200] =	vst v63  }
0x157: {  	_ = 	snop  }
0x158: {  	[tilespmem:s30], [sflag:$0x1] =	stream.indirect_vreg.gather [hbm4b:s17+s26], $0x80, v5, vm0, $0xb8;
	[tilespmem:$0x1C200] =	vst v63  }
0x159: {  	_ = 	snop  }
0x15a: {  	[tilespmem:s31], [sflag:$0x1] =	stream.indirect_vreg.gather [hbm4b:s19+s26], $0x80, v5, vm0, $0xb8;
	[tilespmem:$0x1C200] =	vst v63  }
0x15b: {  	s1 =	simm.s32 $0x6200  }
0x15c: {  	[tilespmem:s1], [sflag:$0x1] =	stream.indirect_vreg.gather [hbm4b:s21+s26], $0x80, v5, vm0, $0xb8;
	[tilespmem:$0x1C200] =	vst v63  }
0x15d: {  	s2 =	simm.s32 $0x6A00  }
0x15e: {  	[tilespmem:s2], [sflag:$0x1] =	stream.indirect_vreg.gather [hbm4b:s22+s26], $0x80, v5, vm0, $0xb8;
	[tilespmem:$0x1C200] =	vst v63  }
0x15f: {  	s18 =	simm.s32 $0x7200  }
0x160: {  	[tilespmem:s18], [sflag:$0x1] =	stream.indirect_vreg.gather [hbm4b:s9+s26], $0x80, v5, vm0, $0xb8;
	[tilespmem:$0x1C200] =	vst v63  }
0x161: {  	s28 =	simm.s32 $0x7A00  }
0x162: {  	[tilespmem:s28], [sflag:$0x1] =	stream.indirect_vreg.gather [hbm4b:s10+s26], $0x80, v5, vm0, $0xb8;
	[tilespmem:$0x1C200] =	vst v63  }
0x163: {  	s2 =	simm.s32 $0x8200  }
0x164: {  	[tilespmem:s2], [sflag:$0x1] =	stream.indirect_vreg.gather [hbm4b:s11+s26], $0x80, v5, vm0, $0xb8;
	[tilespmem:$0x1C200] =	vst v63  }
0x165: {  	s18 =	simm.s32 $0x8A00  }
0x166: {  	[tilespmem:s18], [sflag:$0x1] =	stream.indirect_vreg.gather [hbm4b:s12+s26], $0x80, v5, vm0, $0xb8;
	[tilespmem:$0x1C200] =	vst v63  }
0x167: {  	s28 =	rddreg [dreg:$0x5];
	s2 =	simm.s32 $0x9200  }
0x168: {  	[tilespmem:s2], [sflag:$0x1] =	stream.indirect_vreg.gather [hbm4b:s28+s26], $0x80, v5, vm0, $0xb8;
	[tilespmem:$0x1C200] =	vst v63  }
0x169: {  	s18 =	rddreg [dreg:$0x4];
	s28 =	simm.s32 $0x9A00  }
0x16a: {  	[tilespmem:s28], [sflag:$0x1] =	stream.indirect_vreg.gather [hbm4b:s18+s26], $0x80, v5, vm0, $0xb8;
	[tilespmem:$0x1C200] =	vst v63  }
0x16b: {  	s18 =	simm.s32 $0xA200  }
0x16c: {  	[tilespmem:s18], [sflag:$0x1] =	stream.indirect_vreg.gather [hbm4b:s7+s26], $0x80, v5, vm0, $0xb8;
	[tilespmem:$0x1C200] =	vst v63  }
0x16d: {  	s28 =	simm.s32 $0xAA00  }
0x16e: {  	[tilespmem:s28], [sflag:$0x1] =	stream.indirect_vreg.gather [hbm4b:s16+s26], $0x80, v5, vm0, $0xb8;
	[tilespmem:$0x1C200] =	vst v63  }
0x16f: {  	s28 =	rddreg [dreg:$0x14]  }
0x170: {  	s2 =	simm.s32 $0xB200;
	s0 =	ssub.s32 s28, s0  }
0x171: {  	[tilespmem:s2], [sflag:$0x1] =	stream.indirect_vreg.gather [hbm4b:s13+s26], $0x80, v5, vm0, $0xb8;
	[tilespmem:$0x1C200] =	vst v63  }
0x172: {  	p1 =	sgt.s32 s0, $0x0  }
.Ltmp9:
0x173: {  	s18 =	simm.s32 $0xBA00;
	(pc) =	sbr.rel @!p1 .LBB2_14-.Ltmp9, $4  }
0x174: {  	[tilespmem:s18], [sflag:$0x1] =	stream.indirect_vreg.gather [hbm4b:s25+s26], $0x80, v5, vm0, $0xb8;
	[tilespmem:$0x1C200] =	vst v63  }
0x175: {  	_ =	swait.ge [sflag:s5], $0x8000  }
0x176: {  	[sflag:s5] =	ssyncset.done $0x0  }
0x177: {  	[sflag:s5] =	ssyncadd.s32 $0xFFFF8000  }
0x178: {  	p1 =	sne.s32 s0, $0x1  }
.Ltmp10:
0x179: {  	_ = 	snop;
	(pc) =	sbr.rel @!p1 .LBB2_17-.Ltmp10, $1  }
0x17a: {  	_ =	sdelay $0x3  }
0x17b: {  	p1 =	sgt.u32 s0, $0x2  }
.Ltmp11:
0x17c: {  	_ = 	snop;
	(pc) =	sbr.rel @!p1 .LBB2_20-.Ltmp11, $1  }
0x17d: {  	_ =	sdelay $0x3  }
0x17e: {  	p1 =	sne.s32 s0, $0x3  }
.Ltmp12:
0x17f: {  	_ = 	snop;
	(pc) =	sbr.rel @!p1 .LBB2_23-.Ltmp12, $1  }
0x180: {  	_ =	sdelay $0x3  }
0x181: {  	p1 =	sgt.u32 s0, $0x4  }
.Ltmp13:
0x182: {  	_ = 	snop;
	(pc) =	sbr.rel @!p1 .LBB2_26-.Ltmp13, $1  }
0x183: {  	_ =	sdelay $0x3  }
0x184: {  	p1 =	sne.s32 s0, $0x5  }
.Ltmp14:
0x185: {  	_ = 	snop;
	(pc) =	sbr.rel @!p1 .LBB2_29-.Ltmp14, $1  }
0x186: {  	_ =	sdelay $0x3  }
0x187: {  	p1 =	sgt.u32 s0, $0x6  }
.Ltmp15:
0x188: {  	_ = 	snop;
	(pc) =	sbr.rel @!p1 .LBB2_32-.Ltmp15, $1  }
0x189: {  	_ =	sdelay $0x3  }
0x18a: {  	p1 =	sne.s32 s0, $0x7  }
.Ltmp16:
0x18b: {  	_ = 	snop;
	(pc) =	sbr.rel @p1 .LBB2_37-.Ltmp16, $4  }
.Ltmp17:
0x18c: {  	_ = 	snop;
	(pc) =	sbr.rel @!p1 .LBB2_35-.Ltmp17, $4  }
0x18d: {  	_ = 	snop  }
0x18e: {  	_ = 	snop  }
0x18f: {  	_ = 	snop  }
0x190: {  	_ = 	snop  }
.LBB2_14:
0x191: {  	s0 =	sand.u32 $0x70, s26;
	s1 =	sand.u32 $0x7C00, s26  }
0x192: {  	s1 =	sor.u32 s0, s1  }
0x193: {  	s18 =	simm.s32 $0x0;
	s0 =	sadd.s32 $0x10, s26;
	[tilespmem:s1+$0x4200] =	vst v4  }
.LBB2_15:
0x194: {  	p1 =	seq.s32 s0, $0xFF0  }
.Ltmp18:
0x195: {  	_ = 	snop;
	(pc) =	sbr.rel @!p1 .LBB2_15-.Ltmp18, $4  }
0x196: {  	s18 =	sadd.s32 $0x80, s18  }
0x197: {  	s1 =	sand.u32 $0x70, s0;
	s2 =	sand.u32 $0x7C00, s18  }
0x198: {  	s1 =	sor.u32 s1, s2  }
0x199: {  	s0 =	sadd.s32 $0x10, s0;
	[tilespmem:s1+$0x4200] =	vst v4  }
.LBB2_17:
0x19a: {  	s0 =	simm.s32 $0x0  }
0x19b: {  	s1 =	sand.u32 $0x70, s0;
	s2 =	sand.u32 $0x7C00, s0  }
0x19c: {  	s1 =	sor.u32 s1, s2  }
0x19d: {  	s18 =	simm.s32 $0x10;
	[tilespmem:s1+$0x4280] =	vst v4  }
.LBB2_18:
0x19e: {  	p1 =	seq.s32 s18, $0xFF0  }
.Ltmp19:
0x19f: {  	_ = 	snop;
	(pc) =	sbr.rel @!p1 .LBB2_18-.Ltmp19, $4  }
0x1a0: {  	s0 =	sadd.s32 $0x80, s0  }
0x1a1: {  	s1 =	sand.u32 $0x70, s18;
	s2 =	sand.u32 $0x7C00, s0  }
0x1a2: {  	s1 =	sor.u32 s1, s2  }
0x1a3: {  	s18 =	sadd.s32 $0x10, s18;
	[tilespmem:s1+$0x4280] =	vst v4  }
.LBB2_20:
0x1a4: {  	s0 =	simm.s32 $0x0  }
0x1a5: {  	s1 =	sand.u32 $0x70, s0;
	s2 =	sand.u32 $0x7C00, s0  }
0x1a6: {  	s1 =	sor.u32 s1, s2  }
0x1a7: {  	s18 =	simm.s32 $0x10;
	[tilespmem:s1+$0x4300] =	vst v4  }
.LBB2_21:
0x1a8: {  	p1 =	seq.s32 s18, $0xFF0  }
.Ltmp20:
0x1a9: {  	_ = 	snop;
	(pc) =	sbr.rel @!p1 .LBB2_21-.Ltmp20, $4  }
0x1aa: {  	s0 =	sadd.s32 $0x80, s0  }
0x1ab: {  	s1 =	sand.u32 $0x70, s18;
	s2 =	sand.u32 $0x7C00, s0  }
0x1ac: {  	s1 =	sor.u32 s1, s2  }
0x1ad: {  	s18 =	sadd.s32 $0x10, s18;
	[tilespmem:s1+$0x4300] =	vst v4  }
.LBB2_23:
0x1ae: {  	s0 =	simm.s32 $0x0  }
0x1af: {  	s1 =	sand.u32 $0x70, s0;
	s2 =	sand.u32 $0x7C00, s0  }
0x1b0: {  	s1 =	sor.u32 s1, s2  }
0x1b1: {  	s18 =	simm.s32 $0x10;
	[tilespmem:s1+$0x4380] =	vst v4  }
.LBB2_24:
0x1b2: {  	p1 =	seq.s32 s18, $0xFF0  }
.Ltmp21:
0x1b3: {  	_ = 	snop;
	(pc) =	sbr.rel @!p1 .LBB2_24-.Ltmp21, $4  }
0x1b4: {  	s0 =	sadd.s32 $0x80, s0  }
0x1b5: {  	s1 =	sand.u32 $0x70, s18;
	s2 =	sand.u32 $0x7C00, s0  }
0x1b6: {  	s1 =	sor.u32 s1, s2  }
0x1b7: {  	s18 =	sadd.s32 $0x10, s18;
	[tilespmem:s1+$0x4380] =	vst v4  }
.LBB2_26:
0x1b8: {  	s0 =	simm.s32 $0x0  }
0x1b9: {  	s1 =	sand.u32 $0x70, s0;
	s2 =	sand.u32 $0x7C00, s0  }
0x1ba: {  	s1 =	sor.u32 s1, s2  }
0x1bb: {  	s18 =	simm.s32 $0x10;
	[tilespmem:s1+$0x4400] =	vst v4  }
.LBB2_27:
0x1bc: {  	p1 =	seq.s32 s18, $0xFF0  }
.Ltmp22:
0x1bd: {  	_ = 	snop;
	(pc) =	sbr.rel @!p1 .LBB2_27-.Ltmp22, $4  }
0x1be: {  	s0 =	sadd.s32 $0x80, s0  }
0x1bf: {  	s1 =	sand.u32 $0x70, s18;
	s2 =	sand.u32 $0x7C00, s0  }
0x1c0: {  	s1 =	sor.u32 s1, s2  }
0x1c1: {  	s18 =	sadd.s32 $0x10, s18;
	[tilespmem:s1+$0x4400] =	vst v4  }
.LBB2_29:
0x1c2: {  	s0 =	simm.s32 $0x0  }
0x1c3: {  	s1 =	sand.u32 $0x70, s0;
	s2 =	sand.u32 $0x7C00, s0  }
0x1c4: {  	s1 =	sor.u32 s1, s2  }
0x1c5: {  	s18 =	simm.s32 $0x10;
	[tilespmem:s1+$0x4480] =	vst v4  }
.LBB2_30:
0x1c6: {  	p1 =	seq.s32 s18, $0xFF0  }
.Ltmp23:
0x1c7: {  	_ = 	snop;
	(pc) =	sbr.rel @!p1 .LBB2_30-.Ltmp23, $4  }
0x1c8: {  	s0 =	sadd.s32 $0x80, s0  }
0x1c9: {  	s1 =	sand.u32 $0x70, s18;
	s2 =	sand.u32 $0x7C00, s0  }
0x1ca: {  	s1 =	sor.u32 s1, s2  }
0x1cb: {  	s18 =	sadd.s32 $0x10, s18;
	[tilespmem:s1+$0x4480] =	vst v4  }
.LBB2_32:
0x1cc: {  	s0 =	simm.s32 $0x0  }
0x1cd: {  	s1 =	sand.u32 $0x70, s0;
	s2 =	sand.u32 $0x7C00, s0  }
0x1ce: {  	s1 =	sor.u32 s1, s2  }
0x1cf: {  	s18 =	simm.s32 $0x10;
	[tilespmem:s1+$0x4500] =	vst v4  }
.LBB2_33:
0x1d0: {  	p1 =	seq.s32 s18, $0xFF0  }
.Ltmp24:
0x1d1: {  	_ = 	snop;
	(pc) =	sbr.rel @!p1 .LBB2_33-.Ltmp24, $4  }
0x1d2: {  	s0 =	sadd.s32 $0x80, s0  }
0x1d3: {  	s1 =	sand.u32 $0x70, s18;
	s2 =	sand.u32 $0x7C00, s0  }
0x1d4: {  	s1 =	sor.u32 s1, s2  }
0x1d5: {  	s18 =	sadd.s32 $0x10, s18;
	[tilespmem:s1+$0x4500] =	vst v4  }
.LBB2_35:
0x1d6: {  	s0 =	simm.s32 $0x0  }
0x1d7: {  	s1 =	sand.u32 $0x7, s0  }
0x1d8: {  	s1 =	sshll.u32 s1, $0x4  }
0x1d9: {  	s1 =	sadd.s32 $0x0, s1  }
0x1da: {  	s1 =	sor.u32 $0x380, s1  }
0x1db: {  	s18 =	simm.s32 $0x10;
	s28 =	simm.s32 $0x1;
	[tilespmem:s1+$0x4200] =	vst v4  }
.LBB2_36:
0x1dc: {  	s1 =	sand.u32 $0x7, s28;
	p1 =	sne.s32 s18, $0xFF0;
	s18 =	sadd.s32 $0x10, s18  }
.Ltmp25:
0x1dd: {  	s0 =	sadd.s32 $0x80, s0;
	s1 =	sshll.u32 s1, $0x4;
	(pc) =	sbr.rel @p1 .LBB2_36-.Ltmp25, $4  }
0x1de: {  	s1 =	sadd.s32 s1, s0  }
0x1df: {  	s1 =	sor.u32 $0x380, s1  }
0x1e0: {  	[tilespmem:s1+$0x4200] =	vst v4  }
0x1e1: {  	s28 =	sadd.s32 $0x1, s28  }
.LBB2_37:
0x1e2: {  	s0 =	sshll.u32 s20, $0xC;
	s6 =	sadd.s32 $0x1, s6  }
0x1e3: {  	s0 =	sadd.s32 s0, s15;
	p1 =	sne.s32 s6, s23  }
0x1e4: {  	[hbm4b:s0+s8] =	stream.linear.scatter [tilespmem:s14], [sflag:$0x2], $0x8000, $0x38;
	[tilespmem:$0x1C200] =	vst v63  }
.Ltmp26:
0x1e5: {  	_ = 	snop;
	(pc) =	sbr.rel @p1 .LBB2_13-.Ltmp26, $4  }
.Ltmp27:
0x1e6: {  	s28 =	simm.s32 $0x2;
	(pc) =	sbr.rel @!p1 .LBB2_38-.Ltmp27, $4  }
0x1e7: {  	_ =	swait.ge [sflag:s28], $0x8000  }
0x1e8: {  	[sflag:s28] =	ssyncset.done $0x0  }
0x1e9: {  	[sflag:s28] =	ssyncadd.s32 $0xFFFF8000  }
0x1ea: {  	_ = 	snop  }
.LBB2_39:
0x1eb: {  	_ =	sfence.sel $0x180000  }
0x1ec: {  	[bflag:$0x0] =	sbarrier.arrive $0xFFFF  }
0x1ed: {  	_ =	strace $0x90000047  }
0x1ee: {  	s0 =	stileid.u32;
	[bflag:$0x2] =	sbarrier.arrive $0xFFFF  }
0x1ef: {  	p0 =	sne.s32 s0, $0x0;
	s0 =	rddreg [dreg:$0x3]  }
0x1f0: {  	s0 =	sadd.s32 @!p0 $0x100000, s0  }
0x1f1: {  	[sflag:s0] =	ssyncadd.tile.s32 @!p0 $0x1;
	_ =	shalt  }
.Lfunc_end2:
_tile_overlayer_lowered:
.L_overlay_start_2:
0x1f2: {  	(tag) =	ssettag $0x2  }
0x1f3: {  	s0 =	rddreg [dreg:$0x0];
	s2 =	stileid.u32  }
0x1f4: {  	s1 =	rddreg [dreg:$0x1];
	p0 =	sne.s32 s2, $0x0  }
0x1f5: {  	s3 =	rddreg [dreg:$0x2];
	[bflag:$0x3] =	sbarrier.arrive $0xFFFF;
	s2 =	simm.s32 @!p0 $0x1C03  }
0x1f6: {  	[timem:s3], [sflag:s2] =	dma.local @!p0 [hbm:s0], s1  }
0x1f7: {  	s0 =	simm.s32 @!p0 $0x3  }
0x1f8: {  	_ =	swait.ge @!p0 [sflag:s0], s1  }
0x1f9: {  	s1 =	ssub.s32 @!p0 $0x0, s1;
	[sflag:s0] =	ssyncset.done @!p0 $0x0  }
0x1fa: {  	[sflag:s0] =	ssyncadd.s32 @!p0 s1  }
0x1fb: {  	[bflag:$0x3] =	sbarrier.arrive $0xFFFF  }
0x1fc: {  	_ =	shalt  }

</sc_bundles>
